<compile_context>
chip_gen: v7x
topology: tpu7x:2x2x1
jax: 0.10.2.dev20260603
libtpu: 0.0.44.dev20260713+nightly
codegen_flags: <defaults>
</compile_context>

<pallas_src>
import jax
import jax.numpy as jnp
from jax import lax
from jax.experimental import pallas as pl
from jax.experimental.pallas import tpu as pltpu
from jax.experimental.pallas import tpu_sc as plsc

B, S, D = 4096, 200, 64
N = B * S
LW = 128
NW = 32
PER_W = N // NW
IROWS_W = PER_W // LW
CHUNK = 256
KSUB = CHUNK // LW
NCH = PER_W // CHUNK
NBUF = 4
K = 2
NTOT = 2 * NCH
NT = (NTOT + NBUF - 1) // NBUF
IDX_ROWS = N // LW


def _body(idx1, idx2, wq, ws, out1, out2, idx_v1, idx_v2, r0, r1, r2, r3,
          sg0, sg1, sg2, sg3, sw0, sw1, sw2, sw3, si):
    cid = lax.axis_index("c")
    sid = lax.axis_index("s")
    wid = sid * 2 + cid
    rows = (r0, r1, r2, r3)
    semg = (sg0, sg1, sg2, sg3)
    semw = (sw0, sw1, sw2, sw3)
    base = wid * PER_W

    pltpu.async_copy(idx2.at[pl.ds(wid * IROWS_W, IROWS_W)], idx_v2, si)
    pltpu.sync_copy(idx1.at[pl.ds(wid * IROWS_W, IROWS_W)], idx_v1)

    def fire_g(idx_v, tbl, i, b):
        for j in range(KSUB):
            pltpu.async_copy(
                tbl.at[idx_v.at[i * KSUB + j]],
                rows[b].at[pl.ds(j * LW, LW)],
                semg[b],
            )

    def drain_g(b):
        pltpu.make_async_copy(wq.at[pl.ds(0, CHUNK)], rows[b], semg[b]).wait()

    def wb_fire(out_hbm, i, b):
        pltpu.async_copy(rows[b], out_hbm.at[pl.ds(base + i * CHUNK, CHUNK)],
                         semw[b])

    def wb_wait(b):
        pltpu.make_async_copy(
            rows[b], out1.at[pl.ds(0, CHUNK)], semw[b]).wait()

    for b in range(K):
        fire_g(idx_v1, wq, b, b)

    def step(t, carry):
        for j in range(NBUF):
            g = NBUF * t + j
            b = j
            bf = (j + K) % NBUF
            gf = g + K

            @pl.when(g < NTOT)
            def _():
                drain_g(b)

            @pl.when(g < NCH)
            def _():
                wb_fire(out1, g, b)

            @pl.when(jnp.logical_and(g >= NCH, g < NTOT))
            def _():
                wb_fire(out2, g - NCH, b)

            @pl.when(jnp.logical_and(gf < NTOT, g >= NBUF - K))
            def _():
                wb_wait(bf)

            @pl.when(gf == NCH)
            def _():
                pltpu.make_async_copy(
                    idx2.at[pl.ds(0, IROWS_W)], idx_v2, si).wait()

            @pl.when(gf < NCH)
            def _():
                fire_g(idx_v1, wq, gf, bf)

            @pl.when(jnp.logical_and(gf >= NCH, gf < NTOT))
            def _():
                fire_g(idx_v2, ws, gf - NCH, bf)

        return carry

    lax.fori_loop(0, NT, step, 0)
    for b in range(NBUF):
        wb_wait(b)


@jax.jit
def _emb(i1, i2, wq, ws):
    mesh = plsc.VectorSubcoreMesh(core_axis_name="c", subcore_axis_name="s")
    f = pl.kernel(
        _body,
        mesh=mesh,
        out_type=[
            jax.ShapeDtypeStruct((N, D), jnp.float32),
            jax.ShapeDtypeStruct((N, D), jnp.float32),
        ],
        scratch_types=[
            pltpu.VMEM((IROWS_W, LW), jnp.int32),
            pltpu.VMEM((IROWS_W, LW), jnp.int32),
        ] + [pltpu.VMEM((CHUNK, D), jnp.float32)] * NBUF
          + [pltpu.SemaphoreType.DMA] * (2 * NBUF + 1),
        compiler_params=pltpu.CompilerParams(use_tc_tiling_on_sc=False),
    )
    return f(i1, i2, wq, ws)


def kernel(input_1, input_2, Wq, Ws):
    wq = Wq.at[0].set(0.0)
    ws = Ws.at[0].set(0.0)
    i1 = input_1.reshape(IDX_ROWS, LW).astype(jnp.int32)
    i2 = input_2.reshape(IDX_ROWS, LW).astype(jnp.int32)
    o1, o2 = _emb(i1, i2, wq, ws)
    return o1.reshape(B, S, D), o2.reshape(B, S, D)

# --- scband reference (transcript-rebuilt; emitter-appended) ---
"""Pipeline reference for scband-bertembedding-9972914062077 (READ-ONLY COPY).

The authoritative reference and input builder live on the scoring server;
editing this copy changes nothing except your own understanding.
"""

import jax, jax.numpy as jnp
import numpy as np

Q_VOCAB = 100000
S_VOCAB = 100000
EMBED = 64
PAD = 0

def setup_inputs(seed: int = 0) -> dict:
    key = jax.random.key(seed)
    k1, k2, k3, k4 = jax.random.split(key, 4)
    input_1 = jax.random.randint(k1, (4096, 200), 0, Q_VOCAB, dtype=jnp.int64 if jax.config.jax_enable_x64 else jnp.int32)
    input_2 = jax.random.randint(k2, (4096, 200), 0, S_VOCAB, dtype=jnp.int64 if jax.config.jax_enable_x64 else jnp.int32)
    Wq = jax.random.normal(k3, (Q_VOCAB, EMBED), dtype=jnp.float32)
    Ws = jax.random.normal(k4, (S_VOCAB, EMBED), dtype=jnp.float32)
    return {"input_1": input_1, "input_2": input_2, "Wq": Wq, "Ws": Ws}

def reference(input_1, input_2, Wq, Ws):
    # padding_idx=PAD: that row is held at zero (as nn.Embedding with padding_idx)
    Wq_p = Wq.at[PAD].set(0.0)
    Ws_p = Ws.at[PAD].set(0.0)
    input1_emb = jnp.take(Wq_p, input_1, axis=0)
    input2_emb = jnp.take(Ws_p, input_2, axis=0)
    # dropout in eval mode is identity
    return (input1_emb, input2_emb)

if __name__ == "__main__":
    import jax
    _d = setup_inputs()
    print(jax.jit(kernel)(*tuple(_d.values())))

</pallas_src>

<mosaic_0001>
#map = affine_map<(d0, d1) -> (0, 0)>
module attributes {stable_mosaic.version = 14 : i64} {
  func.func @_body(%arg0: i32, %arg1: i32, %arg2: memref<6400x128xi32, #tpu.memory_space<hbm>>, %arg3: memref<6400x128xi32, #tpu.memory_space<hbm>>, %arg4: memref<100000x64xf32, #tpu.memory_space<hbm>>, %arg5: memref<100000x64xf32, #tpu.memory_space<hbm>>, %arg6: memref<819200x64xf32, #tpu.memory_space<hbm>>, %arg7: memref<819200x64xf32, #tpu.memory_space<hbm>>, %arg8: memref<200x128xi32, #tpu.memory_space<vmem>>, %arg9: memref<200x128xi32, #tpu.memory_space<vmem>>, %arg10: memref<256x64xf32, #tpu.memory_space<vmem>>, %arg11: memref<256x64xf32, #tpu.memory_space<vmem>>, %arg12: memref<256x64xf32, #tpu.memory_space<vmem>>, %arg13: memref<256x64xf32, #tpu.memory_space<vmem>>, %arg14: memref<!tpu.dma_semaphore, #tpu.memory_space<semaphore_mem>>, %arg15: memref<!tpu.dma_semaphore, #tpu.memory_space<semaphore_mem>>, %arg16: memref<!tpu.dma_semaphore, #tpu.memory_space<semaphore_mem>>, %arg17: memref<!tpu.dma_semaphore, #tpu.memory_space<semaphore_mem>>, %arg18: memref<!tpu.dma_semaphore, #tpu.memory_space<semaphore_mem>>, %arg19: memref<!tpu.dma_semaphore, #tpu.memory_space<semaphore_mem>>, %arg20: memref<!tpu.dma_semaphore, #tpu.memory_space<semaphore_mem>>, %arg21: memref<!tpu.dma_semaphore, #tpu.memory_space<semaphore_mem>>, %arg22: memref<!tpu.dma_semaphore, #tpu.memory_space<semaphore_mem>>) attributes {dimension_semantics = [#tpu.dimension_semantics<core_parallel>, #tpu.dimension_semantics<subcore_parallel>], iteration_bounds = array<i64: 2, 16>, scalar_prefetch = 0 : i64, scratch_operands = 15 : i64, tpu.core_type = #tpu.core_type<sc_vector_subcore>, window_params = [{transform_indices = #map}, {transform_indices = #map}, {transform_indices = #map}, {transform_indices = #map}, {transform_indices = #map}, {transform_indices = #map}]} {
    %mul3A = arith.constant 2 : i32
    %mul3A_0 = arith.muli %arg1, %mul3A : i32
    %add3A = arith.addi %mul3A_0, %arg0 : i32
    %mul3A_1 = arith.constant 25600 : i32
    %mul3A_2 = arith.muli %add3A, %mul3A_1 : i32
    %mul3A_3 = arith.constant 200 : i32
    %mul3A_4 = arith.muli %add3A, %mul3A_3 : i32
    %dma_start3A = arith.constant 0 : i32
    %dma_start3A_5 = tpu.memref_slice %arg3[%mul3A_4, %dma_start3A] : memref<6400x128xi32, #tpu.memory_space<hbm>> -> memref<200x128xi32, #tpu.memory_space<hbm>>
    %dma_start3A_6 = arith.constant 0 : i32
    %dma_start3A_7 = tpu.memref_slice %arg3[%mul3A_4, %dma_start3A_6] : memref<6400x128xi32, #tpu.memory_space<hbm>> -> memref<200x128xi32, #tpu.memory_space<hbm>>
    tpu.enqueue_dma source(%dma_start3A_7 : memref<200x128xi32, #tpu.memory_space<hbm>>) target(%arg9 : memref<200x128xi32, #tpu.memory_space<vmem>>) target_semaphore(%arg22 : memref<!tpu.dma_semaphore, #tpu.memory_space<semaphore_mem>>)
    %mul3A_8 = arith.constant 200 : i32
    %mul3A_9 = arith.muli %add3A, %mul3A_8 : i32
    "tpu.region"() ({
      %run_scoped3A = tpu.sem_alloc : memref<!tpu.dma_semaphore, #tpu.memory_space<semaphore_mem>>
      %dma_start3A_78 = arith.constant 0 : i32
      %dma_start3A_79 = tpu.memref_slice %arg2[%mul3A_9, %dma_start3A_78] : memref<6400x128xi32, #tpu.memory_space<hbm>> -> memref<200x128xi32, #tpu.memory_space<hbm>>
      %dma_start3A_80 = arith.constant 0 : i32
      %dma_start3A_81 = tpu.memref_slice %arg2[%mul3A_9, %dma_start3A_80] : memref<6400x128xi32, #tpu.memory_space<hbm>> -> memref<200x128xi32, #tpu.memory_space<hbm>>
      tpu.enqueue_dma source(%dma_start3A_81 : memref<200x128xi32, #tpu.memory_space<hbm>>) target(%arg8 : memref<200x128xi32, #tpu.memory_space<vmem>>) target_semaphore(%run_scoped3A : memref<!tpu.dma_semaphore, #tpu.memory_space<semaphore_mem>>)
      %dma_wait3A_82 = arith.constant 0 : i32
      %dma_wait3A_83 = tpu.memref_slice %arg2[%mul3A_9, %dma_wait3A_82] : memref<6400x128xi32, #tpu.memory_space<hbm>> -> memref<200x128xi32, #tpu.memory_space<hbm>>
      %dma_wait3A_84 = arith.constant 0 : i32
      %dma_wait3A_85 = tpu.memref_slice %arg2[%mul3A_9, %dma_wait3A_84] : memref<6400x128xi32, #tpu.memory_space<hbm>> -> memref<200x128xi32, #tpu.memory_space<hbm>>
      tpu.wait_dma2 semaphore(%run_scoped3A : memref<!tpu.dma_semaphore, #tpu.memory_space<semaphore_mem>>) src(%dma_wait3A_85 : memref<200x128xi32, #tpu.memory_space<hbm>>) dst(%arg8 : memref<200x128xi32, #tpu.memory_space<vmem>>)
      tpu.yield
    }) : () -> ()
    %dma_start3A_10 = arith.constant 0 : i32
    %dma_start3A_11 = arith.constant 0 : i32
    %dma_start3A_12 = arith.constant 0 : i32
    %dma_start3A_13 = tpu.memref_slice %arg10[%dma_start3A_11, %dma_start3A_12] : memref<256x64xf32, #tpu.memory_space<vmem>> -> memref<128x64xf32, #tpu.memory_space<vmem>>
    %dma_start3A_14 = arith.constant 0 : i32
    %dma_start3A_15 = tpu.memref_slice %arg8[%dma_start3A_10, %dma_start3A_14] : memref<200x128xi32, #tpu.memory_space<vmem>> -> memref<1x128xi32, #tpu.memory_space<vmem>>
    %dma_start3A_16 = tpu.memref_squeeze %dma_start3A_15 : memref<1x128xi32, #tpu.memory_space<vmem>> -> memref<128xi32, #tpu.memory_space<vmem>>
    %dma_start3A_17 = arith.constant 0 : i32
    %dma_start3A_18 = arith.constant 0 : i32
    %dma_start3A_19 = tpu.memref_slice %arg4[%dma_start3A_17, %dma_start3A_18] : memref<100000x64xf32, #tpu.memory_space<hbm>> -> memref<100000x64xf32, #tpu.memory_space<hbm>>
    tpu.enqueue_indirect_dma source(%dma_start3A_19 : memref<100000x64xf32, #tpu.memory_space<hbm>>) target(%dma_start3A_13 : memref<128x64xf32, #tpu.memory_space<vmem>>) offsets(%dma_start3A_16 : memref<128xi32, #tpu.memory_space<vmem>>) semaphore(%arg14 : memref<!tpu.dma_semaphore, #tpu.memory_space<semaphore_mem>>)
    %dma_start3A_20 = arith.constant 1 : i32
    %dma_start3A_21 = arith.constant 128 : i32
    %dma_start3A_22 = arith.constant 0 : i32
    %dma_start3A_23 = tpu.memref_slice %arg10[%dma_start3A_21, %dma_start3A_22] : memref<256x64xf32, #tpu.memory_space<vmem>> -> memref<128x64xf32, #tpu.memory_space<vmem>>
    %dma_start3A_24 = arith.constant 0 : i32
    %dma_start3A_25 = tpu.memref_slice %arg8[%dma_start3A_20, %dma_start3A_24] : memref<200x128xi32, #tpu.memory_space<vmem>> -> memref<1x128xi32, #tpu.memory_space<vmem>>
    %dma_start3A_26 = tpu.memref_squeeze %dma_start3A_25 : memref<1x128xi32, #tpu.memory_space<vmem>> -> memref<128xi32, #tpu.memory_space<vmem>>
    %dma_start3A_27 = arith.constant 0 : i32
    %dma_start3A_28 = arith.constant 0 : i32
    %dma_start3A_29 = tpu.memref_slice %arg4[%dma_start3A_27, %dma_start3A_28] : memref<100000x64xf32, #tpu.memory_space<hbm>> -> memref<100000x64xf32, #tpu.memory_space<hbm>>
    tpu.enqueue_indirect_dma source(%dma_start3A_29 : memref<100000x64xf32, #tpu.memory_space<hbm>>) target(%dma_start3A_23 : memref<128x64xf32, #tpu.memory_space<vmem>>) offsets(%dma_start3A_26 : memref<128xi32, #tpu.memory_space<vmem>>) semaphore(%arg14 : memref<!tpu.dma_semaphore, #tpu.memory_space<semaphore_mem>>)
    %dma_start3A_30 = arith.constant 2 : i32
    %dma_start3A_31 = arith.constant 0 : i32
    %dma_start3A_32 = arith.constant 0 : i32
    %dma_start3A_33 = tpu.memref_slice %arg11[%dma_start3A_31, %dma_start3A_32] : memref<256x64xf32, #tpu.memory_space<vmem>> -> memref<128x64xf32, #tpu.memory_space<vmem>>
    %dma_start3A_34 = arith.constant 0 : i32
    %dma_start3A_35 = tpu.memref_slice %arg8[%dma_start3A_30, %dma_start3A_34] : memref<200x128xi32, #tpu.memory_space<vmem>> -> memref<1x128xi32, #tpu.memory_space<vmem>>
    %dma_start3A_36 = tpu.memref_squeeze %dma_start3A_35 : memref<1x128xi32, #tpu.memory_space<vmem>> -> memref<128xi32, #tpu.memory_space<vmem>>
    %dma_start3A_37 = arith.constant 0 : i32
    %dma_start3A_38 = arith.constant 0 : i32
    %dma_start3A_39 = tpu.memref_slice %arg4[%dma_start3A_37, %dma_start3A_38] : memref<100000x64xf32, #tpu.memory_space<hbm>> -> memref<100000x64xf32, #tpu.memory_space<hbm>>
    tpu.enqueue_indirect_dma source(%dma_start3A_39 : memref<100000x64xf32, #tpu.memory_space<hbm>>) target(%dma_start3A_33 : memref<128x64xf32, #tpu.memory_space<vmem>>) offsets(%dma_start3A_36 : memref<128xi32, #tpu.memory_space<vmem>>) semaphore(%arg15 : memref<!tpu.dma_semaphore, #tpu.memory_space<semaphore_mem>>)
    %dma_start3A_40 = arith.constant 3 : i32
    %dma_start3A_41 = arith.constant 128 : i32
    %dma_start3A_42 = arith.constant 0 : i32
    %dma_start3A_43 = tpu.memref_slice %arg11[%dma_start3A_41, %dma_start3A_42] : memref<256x64xf32, #tpu.memory_space<vmem>> -> memref<128x64xf32, #tpu.memory_space<vmem>>
    %dma_start3A_44 = arith.constant 0 : i32
    %dma_start3A_45 = tpu.memref_slice %arg8[%dma_start3A_40, %dma_start3A_44] : memref<200x128xi32, #tpu.memory_space<vmem>> -> memref<1x128xi32, #tpu.memory_space<vmem>>
    %dma_start3A_46 = tpu.memref_squeeze %dma_start3A_45 : memref<1x128xi32, #tpu.memory_space<vmem>> -> memref<128xi32, #tpu.memory_space<vmem>>
    %dma_start3A_47 = arith.constant 0 : i32
    %dma_start3A_48 = arith.constant 0 : i32
    %dma_start3A_49 = tpu.memref_slice %arg4[%dma_start3A_47, %dma_start3A_48] : memref<100000x64xf32, #tpu.memory_space<hbm>> -> memref<100000x64xf32, #tpu.memory_space<hbm>>
    tpu.enqueue_indirect_dma source(%dma_start3A_49 : memref<100000x64xf32, #tpu.memory_space<hbm>>) target(%dma_start3A_43 : memref<128x64xf32, #tpu.memory_space<vmem>>) offsets(%dma_start3A_46 : memref<128xi32, #tpu.memory_space<vmem>>) semaphore(%arg15 : memref<!tpu.dma_semaphore, #tpu.memory_space<semaphore_mem>>)
    %scan3A = arith.constant 0 : i32
    %scan3A_50 = arith.constant 0 : i32
    %scan3A_51 = arith.constant 50 : i32
    %scan3A_52 = arith.addi %scan3A_50, %scan3A_51 : i32
    %scan3A_53 = arith.constant 1 : i32
    scf.for %scan3A_78 = %scan3A_50 to %scan3A_52 step %scan3A_53  : i32 {
      %mul3A_79 = arith.constant 4 : i32
      %mul3A_80 = arith.muli %mul3A_79, %scan3A_78 : i32
      %add3A_81 = arith.constant 0 : i32
      %add3A_82 = arith.addi %mul3A_80, %add3A_81 : i32
      %add3A_83 = arith.constant 2 : i32
      %add3A_84 = arith.addi %add3A_82, %add3A_83 : i32
      %lt3A = arith.constant 200 : i32
      %lt3A_85 = arith.cmpi slt, %add3A_82, %lt3A : i32
      %convert_element_type3A = arith.extui %lt3A_85 : i1 to i32
      %cond3A = arith.constant 0 : i32
      %cond3A_86 = arith.cmpi ne, %convert_element_type3A, %cond3A : i32
      scf.if %cond3A_86 {
        %dma_wait3A_273 = arith.constant 0 : i32
        %dma_wait3A_274 = arith.constant 0 : i32
        %dma_wait3A_275 = tpu.memref_slice %arg4[%dma_wait3A_273, %dma_wait3A_274] : memref<100000x64xf32, #tpu.memory_space<hbm>> -> memref<256x64xf32, #tpu.memory_space<hbm>>
        %dma_wait3A_276 = arith.constant 0 : i32
        %dma_wait3A_277 = arith.constant 0 : i32
        %dma_wait3A_278 = tpu.memref_slice %arg4[%dma_wait3A_276, %dma_wait3A_277] : memref<100000x64xf32, #tpu.memory_space<hbm>> -> memref<256x64xf32, #tpu.memory_space<hbm>>
        tpu.wait_dma2 semaphore(%arg14 : memref<!tpu.dma_semaphore, #tpu.memory_space<semaphore_mem>>) src(%dma_wait3A_278 : memref<256x64xf32, #tpu.memory_space<hbm>>) dst(%arg10 : memref<256x64xf32, #tpu.memory_space<vmem>>)
      } else {
      }
      %lt3A_87 = arith.constant 100 : i32
      %lt3A_88 = arith.cmpi slt, %add3A_82, %lt3A_87 : i32
      %convert_element_type3A_89 = arith.extui %lt3A_88 : i1 to i32
      %cond3A_90 = arith.constant 0 : i32
      %cond3A_91 = arith.cmpi ne, %convert_element_type3A_89, %cond3A_90 : i32
      scf.if %cond3A_91 {
        %mul3A_273 = arith.constant 256 : i32
        %mul3A_274 = arith.muli %add3A_82, %mul3A_273 : i32
        %add3A_275 = arith.addi %mul3A_2, %mul3A_274 : i32
        %dma_start3A_276 = arith.constant 0 : i32
        %dma_start3A_277 = tpu.memref_slice %arg6[%add3A_275, %dma_start3A_276] : memref<819200x64xf32, #tpu.memory_space<hbm>> -> memref<256x64xf32, #tpu.memory_space<hbm>>
        %dma_start3A_278 = arith.constant 0 : i32
        %dma_start3A_279 = tpu.memref_slice %arg6[%add3A_275, %dma_start3A_278] : memref<819200x64xf32, #tpu.memory_space<hbm>> -> memref<256x64xf32, #tpu.memory_space<hbm>>
        tpu.enqueue_dma source(%arg10 : memref<256x64xf32, #tpu.memory_space<vmem>>) target(%dma_start3A_279 : memref<256x64xf32, #tpu.memory_space<hbm>>) target_semaphore(%arg18 : memref<!tpu.dma_semaphore, #tpu.memory_space<semaphore_mem>>)
      } else {
      }
      %ge3A = arith.constant 100 : i32
      %ge3A_92 = arith.cmpi sge, %add3A_82, %ge3A : i32
      %lt3A_93 = arith.constant 200 : i32
      %lt3A_94 = arith.cmpi slt, %add3A_82, %lt3A_93 : i32
      %and3A = arith.andi %ge3A_92, %lt3A_94 : i1
      %convert_element_type3A_95 = arith.extui %and3A : i1 to i32
      %cond3A_96 = arith.constant 0 : i32
      %cond3A_97 = arith.cmpi ne, %convert_element_type3A_95, %cond3A_96 : i32
      scf.if %cond3A_97 {
        %sub3A = arith.constant 100 : i32
        %sub3A_273 = arith.subi %add3A_82, %sub3A : i32
        %mul3A_274 = arith.constant 256 : i32
        %mul3A_275 = arith.muli %sub3A_273, %mul3A_274 : i32
        %add3A_276 = arith.addi %mul3A_2, %mul3A_275 : i32
        %dma_start3A_277 = arith.constant 0 : i32
        %dma_start3A_278 = tpu.memref_slice %arg7[%add3A_276, %dma_start3A_277] : memref<819200x64xf32, #tpu.memory_space<hbm>> -> memref<256x64xf32, #tpu.memory_space<hbm>>
        %dma_start3A_279 = arith.constant 0 : i32
        %dma_start3A_280 = tpu.memref_slice %arg7[%add3A_276, %dma_start3A_279] : memref<819200x64xf32, #tpu.memory_space<hbm>> -> memref<256x64xf32, #tpu.memory_space<hbm>>
        tpu.enqueue_dma source(%arg10 : memref<256x64xf32, #tpu.memory_space<vmem>>) target(%dma_start3A_280 : memref<256x64xf32, #tpu.memory_space<hbm>>) target_semaphore(%arg18 : memref<!tpu.dma_semaphore, #tpu.memory_space<semaphore_mem>>)
      } else {
      }
      %lt3A_98 = arith.constant 200 : i32
      %lt3A_99 = arith.cmpi slt, %add3A_84, %lt3A_98 : i32
      %ge3A_100 = arith.constant 2 : i32
      %ge3A_101 = arith.cmpi sge, %add3A_82, %ge3A_100 : i32
      %and3A_102 = arith.andi %lt3A_99, %ge3A_101 : i1
      %convert_element_type3A_103 = arith.extui %and3A_102 : i1 to i32
      %cond3A_104 = arith.constant 0 : i32
      %cond3A_105 = arith.cmpi ne, %convert_element_type3A_103, %cond3A_104 : i32
      scf.if %cond3A_105 {
        %dma_wait3A_273 = arith.constant 0 : i32
        %dma_wait3A_274 = arith.constant 0 : i32
        %dma_wait3A_275 = tpu.memref_slice %arg6[%dma_wait3A_273, %dma_wait3A_274] : memref<819200x64xf32, #tpu.memory_space<hbm>> -> memref<256x64xf32, #tpu.memory_space<hbm>>
        %dma_wait3A_276 = arith.constant 0 : i32
        %dma_wait3A_277 = arith.constant 0 : i32
        %dma_wait3A_278 = tpu.memref_slice %arg6[%dma_wait3A_276, %dma_wait3A_277] : memref<819200x64xf32, #tpu.memory_space<hbm>> -> memref<256x64xf32, #tpu.memory_space<hbm>>
        tpu.wait_dma2 semaphore(%arg20 : memref<!tpu.dma_semaphore, #tpu.memory_space<semaphore_mem>>) src(%arg12 : memref<256x64xf32, #tpu.memory_space<vmem>>) dst(%dma_wait3A_278 : memref<256x64xf32, #tpu.memory_space<hbm>>)
      } else {
      }
      %eq3A = arith.constant 100 : i32
      %eq3A_106 = arith.cmpi eq, %add3A_84, %eq3A : i32
      %convert_element_type3A_107 = arith.extui %eq3A_106 : i1 to i32
      %cond3A_108 = arith.constant 0 : i32
      %cond3A_109 = arith.cmpi ne, %convert_element_type3A_107, %cond3A_108 : i32
      scf.if %cond3A_109 {
        %dma_wait3A_273 = arith.constant 0 : i32
        %dma_wait3A_274 = arith.constant 0 : i32
        %dma_wait3A_275 = tpu.memref_slice %arg3[%dma_wait3A_273, %dma_wait3A_274] : memref<6400x128xi32, #tpu.memory_space<hbm>> -> memref<200x128xi32, #tpu.memory_space<hbm>>
        %dma_wait3A_276 = arith.constant 0 : i32
        %dma_wait3A_277 = arith.constant 0 : i32
        %dma_wait3A_278 = tpu.memref_slice %arg3[%dma_wait3A_276, %dma_wait3A_277] : memref<6400x128xi32, #tpu.memory_space<hbm>> -> memref<200x128xi32, #tpu.memory_space<hbm>>
        tpu.wait_dma2 semaphore(%arg22 : memref<!tpu.dma_semaphore, #tpu.memory_space<semaphore_mem>>) src(%dma_wait3A_278 : memref<200x128xi32, #tpu.memory_space<hbm>>) dst(%arg9 : memref<200x128xi32, #tpu.memory_space<vmem>>)
      } else {
      }
      %lt3A_110 = arith.constant 100 : i32
      %lt3A_111 = arith.cmpi slt, %add3A_84, %lt3A_110 : i32
      %convert_element_type3A_112 = arith.extui %lt3A_111 : i1 to i32
      %cond3A_113 = arith.constant 0 : i32
      %cond3A_114 = arith.cmpi ne, %convert_element_type3A_112, %cond3A_113 : i32
      scf.if %cond3A_114 {
        %mul3A_273 = arith.constant 2 : i32
        %mul3A_274 = arith.muli %add3A_84, %mul3A_273 : i32
        %add3A_275 = arith.constant 0 : i32
        %add3A_276 = arith.addi %mul3A_274, %add3A_275 : i32
        %dma_start3A_277 = arith.constant 0 : i32
        %dma_start3A_278 = arith.constant 0 : i32
        %dma_start3A_279 = tpu.memref_slice %arg12[%dma_start3A_277, %dma_start3A_278] : memref<256x64xf32, #tpu.memory_space<vmem>> -> memref<128x64xf32, #tpu.memory_space<vmem>>
        %dma_start3A_280 = arith.constant 0 : i32
        %dma_start3A_281 = tpu.memref_slice %arg8[%add3A_276, %dma_start3A_280] : memref<200x128xi32, #tpu.memory_space<vmem>> -> memref<1x128xi32, #tpu.memory_space<vmem>>
        %dma_start3A_282 = tpu.memref_squeeze %dma_start3A_281 : memref<1x128xi32, #tpu.memory_space<vmem>> -> memref<128xi32, #tpu.memory_space<vmem>>
        %dma_start3A_283 = arith.constant 0 : i32
        %dma_start3A_284 = arith.constant 0 : i32
        %dma_start3A_285 = tpu.memref_slice %arg4[%dma_start3A_283, %dma_start3A_284] : memref<100000x64xf32, #tpu.memory_space<hbm>> -> memref<100000x64xf32, #tpu.memory_space<hbm>>
        tpu.enqueue_indirect_dma source(%dma_start3A_285 : memref<100000x64xf32, #tpu.memory_space<hbm>>) target(%dma_start3A_279 : memref<128x64xf32, #tpu.memory_space<vmem>>) offsets(%dma_start3A_282 : memref<128xi32, #tpu.memory_space<vmem>>) semaphore(%arg16 : memref<!tpu.dma_semaphore, #tpu.memory_space<semaphore_mem>>)
        %mul3A_286 = arith.constant 2 : i32
        %mul3A_287 = arith.muli %add3A_84, %mul3A_286 : i32
        %add3A_288 = arith.constant 1 : i32
        %add3A_289 = arith.addi %mul3A_287, %add3A_288 : i32
        %dma_start3A_290 = arith.constant 128 : i32
        %dma_start3A_291 = arith.constant 0 : i32
        %dma_start3A_292 = tpu.memref_slice %arg12[%dma_start3A_290, %dma_start3A_291] : memref<256x64xf32, #tpu.memory_space<vmem>> -> memref<128x64xf32, #tpu.memory_space<vmem>>
        %dma_start3A_293 = arith.constant 0 : i32
        %dma_start3A_294 = tpu.memref_slice %arg8[%add3A_289, %dma_start3A_293] : memref<200x128xi32, #tpu.memory_space<vmem>> -> memref<1x128xi32, #tpu.memory_space<vmem>>
        %dma_start3A_295 = tpu.memref_squeeze %dma_start3A_294 : memref<1x128xi32, #tpu.memory_space<vmem>> -> memref<128xi32, #tpu.memory_space<vmem>>
        %dma_start3A_296 = arith.constant 0 : i32
        %dma_start3A_297 = arith.constant 0 : i32
        %dma_start3A_298 = tpu.memref_slice %arg4[%dma_start3A_296, %dma_start3A_297] : memref<100000x64xf32, #tpu.memory_space<hbm>> -> memref<100000x64xf32, #tpu.memory_space<hbm>>
        tpu.enqueue_indirect_dma source(%dma_start3A_298 : memref<100000x64xf32, #tpu.memory_space<hbm>>) target(%dma_start3A_292 : memref<128x64xf32, #tpu.memory_space<vmem>>) offsets(%dma_start3A_295 : memref<128xi32, #tpu.memory_space<vmem>>) semaphore(%arg16 : memref<!tpu.dma_semaphore, #tpu.memory_space<semaphore_mem>>)
      } else {
      }
      %ge3A_115 = arith.constant 100 : i32
      %ge3A_116 = arith.cmpi sge, %add3A_84, %ge3A_115 : i32
      %lt3A_117 = arith.constant 200 : i32
      %lt3A_118 = arith.cmpi slt, %add3A_84, %lt3A_117 : i32
      %and3A_119 = arith.andi %ge3A_116, %lt3A_118 : i1
      %convert_element_type3A_120 = arith.extui %and3A_119 : i1 to i32
      %cond3A_121 = arith.constant 0 : i32
      %cond3A_122 = arith.cmpi ne, %convert_element_type3A_120, %cond3A_121 : i32
      scf.if %cond3A_122 {
        %sub3A = arith.constant 100 : i32
        %sub3A_273 = arith.subi %add3A_84, %sub3A : i32
        %mul3A_274 = arith.constant 2 : i32
        %mul3A_275 = arith.muli %sub3A_273, %mul3A_274 : i32
        %add3A_276 = arith.constant 0 : i32
        %add3A_277 = arith.addi %mul3A_275, %add3A_276 : i32
        %dma_start3A_278 = arith.constant 0 : i32
        %dma_start3A_279 = arith.constant 0 : i32
        %dma_start3A_280 = tpu.memref_slice %arg12[%dma_start3A_278, %dma_start3A_279] : memref<256x64xf32, #tpu.memory_space<vmem>> -> memref<128x64xf32, #tpu.memory_space<vmem>>
        %dma_start3A_281 = arith.constant 0 : i32
        %dma_start3A_282 = tpu.memref_slice %arg9[%add3A_277, %dma_start3A_281] : memref<200x128xi32, #tpu.memory_space<vmem>> -> memref<1x128xi32, #tpu.memory_space<vmem>>
        %dma_start3A_283 = tpu.memref_squeeze %dma_start3A_282 : memref<1x128xi32, #tpu.memory_space<vmem>> -> memref<128xi32, #tpu.memory_space<vmem>>
        %dma_start3A_284 = arith.constant 0 : i32
        %dma_start3A_285 = arith.constant 0 : i32
        %dma_start3A_286 = tpu.memref_slice %arg5[%dma_start3A_284, %dma_start3A_285] : memref<100000x64xf32, #tpu.memory_space<hbm>> -> memref<100000x64xf32, #tpu.memory_space<hbm>>
        tpu.enqueue_indirect_dma source(%dma_start3A_286 : memref<100000x64xf32, #tpu.memory_space<hbm>>) target(%dma_start3A_280 : memref<128x64xf32, #tpu.memory_space<vmem>>) offsets(%dma_start3A_283 : memref<128xi32, #tpu.memory_space<vmem>>) semaphore(%arg16 : memref<!tpu.dma_semaphore, #tpu.memory_space<semaphore_mem>>)
        %mul3A_287 = arith.constant 2 : i32
        %mul3A_288 = arith.muli %sub3A_273, %mul3A_287 : i32
        %add3A_289 = arith.constant 1 : i32
        %add3A_290 = arith.addi %mul3A_288, %add3A_289 : i32
        %dma_start3A_291 = arith.constant 128 : i32
        %dma_start3A_292 = arith.constant 0 : i32
        %dma_start3A_293 = tpu.memref_slice %arg12[%dma_start3A_291, %dma_start3A_292] : memref<256x64xf32, #tpu.memory_space<vmem>> -> memref<128x64xf32, #tpu.memory_space<vmem>>
        %dma_start3A_294 = arith.constant 0 : i32
        %dma_start3A_295 = tpu.memref_slice %arg9[%add3A_290, %dma_start3A_294] : memref<200x128xi32, #tpu.memory_space<vmem>> -> memref<1x128xi32, #tpu.memory_space<vmem>>
        %dma_start3A_296 = tpu.memref_squeeze %dma_start3A_295 : memref<1x128xi32, #tpu.memory_space<vmem>> -> memref<128xi32, #tpu.memory_space<vmem>>
        %dma_start3A_297 = arith.constant 0 : i32
        %dma_start3A_298 = arith.constant 0 : i32
        %dma_start3A_299 = tpu.memref_slice %arg5[%dma_start3A_297, %dma_start3A_298] : memref<100000x64xf32, #tpu.memory_space<hbm>> -> memref<100000x64xf32, #tpu.memory_space<hbm>>
        tpu.enqueue_indirect_dma source(%dma_start3A_299 : memref<100000x64xf32, #tpu.memory_space<hbm>>) target(%dma_start3A_293 : memref<128x64xf32, #tpu.memory_space<vmem>>) offsets(%dma_start3A_296 : memref<128xi32, #tpu.memory_space<vmem>>) semaphore(%arg16 : memref<!tpu.dma_semaphore, #tpu.memory_space<semaphore_mem>>)
      } else {
      }
      %mul3A_123 = arith.constant 4 : i32
      %mul3A_124 = arith.muli %mul3A_123, %scan3A_78 : i32
      %add3A_125 = arith.constant 1 : i32
      %add3A_126 = arith.addi %mul3A_124, %add3A_125 : i32
      %add3A_127 = arith.constant 2 : i32
      %add3A_128 = arith.addi %add3A_126, %add3A_127 : i32
      %lt3A_129 = arith.constant 200 : i32
      %lt3A_130 = arith.cmpi slt, %add3A_126, %lt3A_129 : i32
      %convert_element_type3A_131 = arith.extui %lt3A_130 : i1 to i32
      %cond3A_132 = arith.constant 0 : i32
      %cond3A_133 = arith.cmpi ne, %convert_element_type3A_131, %cond3A_132 : i32
      scf.if %cond3A_133 {
        %dma_wait3A_273 = arith.constant 0 : i32
        %dma_wait3A_274 = arith.constant 0 : i32
        %dma_wait3A_275 = tpu.memref_slice %arg4[%dma_wait3A_273, %dma_wait3A_274] : memref<100000x64xf32, #tpu.memory_space<hbm>> -> memref<256x64xf32, #tpu.memory_space<hbm>>
        %dma_wait3A_276 = arith.constant 0 : i32
        %dma_wait3A_277 = arith.constant 0 : i32
        %dma_wait3A_278 = tpu.memref_slice %arg4[%dma_wait3A_276, %dma_wait3A_277] : memref<100000x64xf32, #tpu.memory_space<hbm>> -> memref<256x64xf32, #tpu.memory_space<hbm>>
        tpu.wait_dma2 semaphore(%arg15 : memref<!tpu.dma_semaphore, #tpu.memory_space<semaphore_mem>>) src(%dma_wait3A_278 : memref<256x64xf32, #tpu.memory_space<hbm>>) dst(%arg11 : memref<256x64xf32, #tpu.memory_space<vmem>>)
      } else {
      }
      %lt3A_134 = arith.constant 100 : i32
      %lt3A_135 = arith.cmpi slt, %add3A_126, %lt3A_134 : i32
      %convert_element_type3A_136 = arith.extui %lt3A_135 : i1 to i32
      %cond3A_137 = arith.constant 0 : i32
      %cond3A_138 = arith.cmpi ne, %convert_element_type3A_136, %cond3A_137 : i32
      scf.if %cond3A_138 {
        %mul3A_273 = arith.constant 256 : i32
        %mul3A_274 = arith.muli %add3A_126, %mul3A_273 : i32
        %add3A_275 = arith.addi %mul3A_2, %mul3A_274 : i32
        %dma_start3A_276 = arith.constant 0 : i32
        %dma_start3A_277 = tpu.memref_slice %arg6[%add3A_275, %dma_start3A_276] : memref<819200x64xf32, #tpu.memory_space<hbm>> -> memref<256x64xf32, #tpu.memory_space<hbm>>
        %dma_start3A_278 = arith.constant 0 : i32
        %dma_start3A_279 = tpu.memref_slice %arg6[%add3A_275, %dma_start3A_278] : memref<819200x64xf32, #tpu.memory_space<hbm>> -> memref<256x64xf32, #tpu.memory_space<hbm>>
        tpu.enqueue_dma source(%arg11 : memref<256x64xf32, #tpu.memory_space<vmem>>) target(%dma_start3A_279 : memref<256x64xf32, #tpu.memory_space<hbm>>) target_semaphore(%arg19 : memref<!tpu.dma_semaphore, #tpu.memory_space<semaphore_mem>>)
      } else {
      }
      %ge3A_139 = arith.constant 100 : i32
      %ge3A_140 = arith.cmpi sge, %add3A_126, %ge3A_139 : i32
      %lt3A_141 = arith.constant 200 : i32
      %lt3A_142 = arith.cmpi slt, %add3A_126, %lt3A_141 : i32
      %and3A_143 = arith.andi %ge3A_140, %lt3A_142 : i1
      %convert_element_type3A_144 = arith.extui %and3A_143 : i1 to i32
      %cond3A_145 = arith.constant 0 : i32
      %cond3A_146 = arith.cmpi ne, %convert_element_type3A_144, %cond3A_145 : i32
      scf.if %cond3A_146 {
        %sub3A = arith.constant 100 : i32
        %sub3A_273 = arith.subi %add3A_126, %sub3A : i32
        %mul3A_274 = arith.constant 256 : i32
        %mul3A_275 = arith.muli %sub3A_273, %mul3A_274 : i32
        %add3A_276 = arith.addi %mul3A_2, %mul3A_275 : i32
        %dma_start3A_277 = arith.constant 0 : i32
        %dma_start3A_278 = tpu.memref_slice %arg7[%add3A_276, %dma_start3A_277] : memref<819200x64xf32, #tpu.memory_space<hbm>> -> memref<256x64xf32, #tpu.memory_space<hbm>>
        %dma_start3A_279 = arith.constant 0 : i32
        %dma_start3A_280 = tpu.memref_slice %arg7[%add3A_276, %dma_start3A_279] : memref<819200x64xf32, #tpu.memory_space<hbm>> -> memref<256x64xf32, #tpu.memory_space<hbm>>
        tpu.enqueue_dma source(%arg11 : memref<256x64xf32, #tpu.memory_space<vmem>>) target(%dma_start3A_280 : memref<256x64xf32, #tpu.memory_space<hbm>>) target_semaphore(%arg19 : memref<!tpu.dma_semaphore, #tpu.memory_space<semaphore_mem>>)
      } else {
      }
      %lt3A_147 = arith.constant 200 : i32
      %lt3A_148 = arith.cmpi slt, %add3A_128, %lt3A_147 : i32
      %ge3A_149 = arith.constant 2 : i32
      %ge3A_150 = arith.cmpi sge, %add3A_126, %ge3A_149 : i32
      %and3A_151 = arith.andi %lt3A_148, %ge3A_150 : i1
      %convert_element_type3A_152 = arith.extui %and3A_151 : i1 to i32
      %cond3A_153 = arith.constant 0 : i32
      %cond3A_154 = arith.cmpi ne, %convert_element_type3A_152, %cond3A_153 : i32
      scf.if %cond3A_154 {
        %dma_wait3A_273 = arith.constant 0 : i32
        %dma_wait3A_274 = arith.constant 0 : i32
        %dma_wait3A_275 = tpu.memref_slice %arg6[%dma_wait3A_273, %dma_wait3A_274] : memref<819200x64xf32, #tpu.memory_space<hbm>> -> memref<256x64xf32, #tpu.memory_space<hbm>>
        %dma_wait3A_276 = arith.constant 0 : i32
        %dma_wait3A_277 = arith.constant 0 : i32
        %dma_wait3A_278 = tpu.memref_slice %arg6[%dma_wait3A_276, %dma_wait3A_277] : memref<819200x64xf32, #tpu.memory_space<hbm>> -> memref<256x64xf32, #tpu.memory_space<hbm>>
        tpu.wait_dma2 semaphore(%arg21 : memref<!tpu.dma_semaphore, #tpu.memory_space<semaphore_mem>>) src(%arg13 : memref<256x64xf32, #tpu.memory_space<vmem>>) dst(%dma_wait3A_278 : memref<256x64xf32, #tpu.memory_space<hbm>>)
      } else {
      }
      %eq3A_155 = arith.constant 100 : i32
      %eq3A_156 = arith.cmpi eq, %add3A_128, %eq3A_155 : i32
      %convert_element_type3A_157 = arith.extui %eq3A_156 : i1 to i32
      %cond3A_158 = arith.constant 0 : i32
      %cond3A_159 = arith.cmpi ne, %convert_element_type3A_157, %cond3A_158 : i32
      scf.if %cond3A_159 {
        %dma_wait3A_273 = arith.constant 0 : i32
        %dma_wait3A_274 = arith.constant 0 : i32
        %dma_wait3A_275 = tpu.memref_slice %arg3[%dma_wait3A_273, %dma_wait3A_274] : memref<6400x128xi32, #tpu.memory_space<hbm>> -> memref<200x128xi32, #tpu.memory_space<hbm>>
        %dma_wait3A_276 = arith.constant 0 : i32
        %dma_wait3A_277 = arith.constant 0 : i32
        %dma_wait3A_278 = tpu.memref_slice %arg3[%dma_wait3A_276, %dma_wait3A_277] : memref<6400x128xi32, #tpu.memory_space<hbm>> -> memref<200x128xi32, #tpu.memory_space<hbm>>
        tpu.wait_dma2 semaphore(%arg22 : memref<!tpu.dma_semaphore, #tpu.memory_space<semaphore_mem>>) src(%dma_wait3A_278 : memref<200x128xi32, #tpu.memory_space<hbm>>) dst(%arg9 : memref<200x128xi32, #tpu.memory_space<vmem>>)
      } else {
      }
      %lt3A_160 = arith.constant 100 : i32
      %lt3A_161 = arith.cmpi slt, %add3A_128, %lt3A_160 : i32
      %convert_element_type3A_162 = arith.extui %lt3A_161 : i1 to i32
      %cond3A_163 = arith.constant 0 : i32
      %cond3A_164 = arith.cmpi ne, %convert_element_type3A_162, %cond3A_163 : i32
      scf.if %cond3A_164 {
        %mul3A_273 = arith.constant 2 : i32
        %mul3A_274 = arith.muli %add3A_128, %mul3A_273 : i32
        %add3A_275 = arith.constant 0 : i32
        %add3A_276 = arith.addi %mul3A_274, %add3A_275 : i32
        %dma_start3A_277 = arith.constant 0 : i32
        %dma_start3A_278 = arith.constant 0 : i32
        %dma_start3A_279 = tpu.memref_slice %arg13[%dma_start3A_277, %dma_start3A_278] : memref<256x64xf32, #tpu.memory_space<vmem>> -> memref<128x64xf32, #tpu.memory_space<vmem>>
        %dma_start3A_280 = arith.constant 0 : i32
        %dma_start3A_281 = tpu.memref_slice %arg8[%add3A_276, %dma_start3A_280] : memref<200x128xi32, #tpu.memory_space<vmem>> -> memref<1x128xi32, #tpu.memory_space<vmem>>
        %dma_start3A_282 = tpu.memref_squeeze %dma_start3A_281 : memref<1x128xi32, #tpu.memory_space<vmem>> -> memref<128xi32, #tpu.memory_space<vmem>>
        %dma_start3A_283 = arith.constant 0 : i32
        %dma_start3A_284 = arith.constant 0 : i32
        %dma_start3A_285 = tpu.memref_slice %arg4[%dma_start3A_283, %dma_start3A_284] : memref<100000x64xf32, #tpu.memory_space<hbm>> -> memref<100000x64xf32, #tpu.memory_space<hbm>>
        tpu.enqueue_indirect_dma source(%dma_start3A_285 : memref<100000x64xf32, #tpu.memory_space<hbm>>) target(%dma_start3A_279 : memref<128x64xf32, #tpu.memory_space<vmem>>) offsets(%dma_start3A_282 : memref<128xi32, #tpu.memory_space<vmem>>) semaphore(%arg17 : memref<!tpu.dma_semaphore, #tpu.memory_space<semaphore_mem>>)
        %mul3A_286 = arith.constant 2 : i32
        %mul3A_287 = arith.muli %add3A_128, %mul3A_286 : i32
        %add3A_288 = arith.constant 1 : i32
        %add3A_289 = arith.addi %mul3A_287, %add3A_288 : i32
        %dma_start3A_290 = arith.constant 128 : i32
        %dma_start3A_291 = arith.constant 0 : i32
        %dma_start3A_292 = tpu.memref_slice %arg13[%dma_start3A_290, %dma_start3A_291] : memref<256x64xf32, #tpu.memory_space<vmem>> -> memref<128x64xf32, #tpu.memory_space<vmem>>
        %dma_start3A_293 = arith.constant 0 : i32
        %dma_start3A_294 = tpu.memref_slice %arg8[%add3A_289, %dma_start3A_293] : memref<200x128xi32, #tpu.memory_space<vmem>> -> memref<1x128xi32, #tpu.memory_space<vmem>>
        %dma_start3A_295 = tpu.memref_squeeze %dma_start3A_294 : memref<1x128xi32, #tpu.memory_space<vmem>> -> memref<128xi32, #tpu.memory_space<vmem>>
        %dma_start3A_296 = arith.constant 0 : i32
        %dma_start3A_297 = arith.constant 0 : i32
        %dma_start3A_298 = tpu.memref_slice %arg4[%dma_start3A_296, %dma_start3A_297] : memref<100000x64xf32, #tpu.memory_space<hbm>> -> memref<100000x64xf32, #tpu.memory_space<hbm>>
        tpu.enqueue_indirect_dma source(%dma_start3A_298 : memref<100000x64xf32, #tpu.memory_space<hbm>>) target(%dma_start3A_292 : memref<128x64xf32, #tpu.memory_space<vmem>>) offsets(%dma_start3A_295 : memref<128xi32, #tpu.memory_space<vmem>>) semaphore(%arg17 : memref<!tpu.dma_semaphore, #tpu.memory_space<semaphore_mem>>)
      } else {
      }
      %ge3A_165 = arith.constant 100 : i32
      %ge3A_166 = arith.cmpi sge, %add3A_128, %ge3A_165 : i32
      %lt3A_167 = arith.constant 200 : i32
      %lt3A_168 = arith.cmpi slt, %add3A_128, %lt3A_167 : i32
      %and3A_169 = arith.andi %ge3A_166, %lt3A_168 : i1
      %convert_element_type3A_170 = arith.extui %and3A_169 : i1 to i32
      %cond3A_171 = arith.constant 0 : i32
      %cond3A_172 = arith.cmpi ne, %convert_element_type3A_170, %cond3A_171 : i32
      scf.if %cond3A_172 {
        %sub3A = arith.constant 100 : i32
        %sub3A_273 = arith.subi %add3A_128, %sub3A : i32
        %mul3A_274 = arith.constant 2 : i32
        %mul3A_275 = arith.muli %sub3A_273, %mul3A_274 : i32
        %add3A_276 = arith.constant 0 : i32
        %add3A_277 = arith.addi %mul3A_275, %add3A_276 : i32
        %dma_start3A_278 = arith.constant 0 : i32
        %dma_start3A_279 = arith.constant 0 : i32
        %dma_start3A_280 = tpu.memref_slice %arg13[%dma_start3A_278, %dma_start3A_279] : memref<256x64xf32, #tpu.memory_space<vmem>> -> memref<128x64xf32, #tpu.memory_space<vmem>>
        %dma_start3A_281 = arith.constant 0 : i32
        %dma_start3A_282 = tpu.memref_slice %arg9[%add3A_277, %dma_start3A_281] : memref<200x128xi32, #tpu.memory_space<vmem>> -> memref<1x128xi32, #tpu.memory_space<vmem>>
        %dma_start3A_283 = tpu.memref_squeeze %dma_start3A_282 : memref<1x128xi32, #tpu.memory_space<vmem>> -> memref<128xi32, #tpu.memory_space<vmem>>
        %dma_start3A_284 = arith.constant 0 : i32
        %dma_start3A_285 = arith.constant 0 : i32
        %dma_start3A_286 = tpu.memref_slice %arg5[%dma_start3A_284, %dma_start3A_285] : memref<100000x64xf32, #tpu.memory_space<hbm>> -> memref<100000x64xf32, #tpu.memory_space<hbm>>
        tpu.enqueue_indirect_dma source(%dma_start3A_286 : memref<100000x64xf32, #tpu.memory_space<hbm>>) target(%dma_start3A_280 : memref<128x64xf32, #tpu.memory_space<vmem>>) offsets(%dma_start3A_283 : memref<128xi32, #tpu.memory_space<vmem>>) semaphore(%arg17 : memref<!tpu.dma_semaphore, #tpu.memory_space<semaphore_mem>>)
        %mul3A_287 = arith.constant 2 : i32
        %mul3A_288 = arith.muli %sub3A_273, %mul3A_287 : i32
        %add3A_289 = arith.constant 1 : i32
        %add3A_290 = arith.addi %mul3A_288, %add3A_289 : i32
        %dma_start3A_291 = arith.constant 128 : i32
        %dma_start3A_292 = arith.constant 0 : i32
        %dma_start3A_293 = tpu.memref_slice %arg13[%dma_start3A_291, %dma_start3A_292] : memref<256x64xf32, #tpu.memory_space<vmem>> -> memref<128x64xf32, #tpu.memory_space<vmem>>
        %dma_start3A_294 = arith.constant 0 : i32
        %dma_start3A_295 = tpu.memref_slice %arg9[%add3A_290, %dma_start3A_294] : memref<200x128xi32, #tpu.memory_space<vmem>> -> memref<1x128xi32, #tpu.memory_space<vmem>>
        %dma_start3A_296 = tpu.memref_squeeze %dma_start3A_295 : memref<1x128xi32, #tpu.memory_space<vmem>> -> memref<128xi32, #tpu.memory_space<vmem>>
        %dma_start3A_297 = arith.constant 0 : i32
        %dma_start3A_298 = arith.constant 0 : i32
        %dma_start3A_299 = tpu.memref_slice %arg5[%dma_start3A_297, %dma_start3A_298] : memref<100000x64xf32, #tpu.memory_space<hbm>> -> memref<100000x64xf32, #tpu.memory_space<hbm>>
        tpu.enqueue_indirect_dma source(%dma_start3A_299 : memref<100000x64xf32, #tpu.memory_space<hbm>>) target(%dma_start3A_293 : memref<128x64xf32, #tpu.memory_space<vmem>>) offsets(%dma_start3A_296 : memref<128xi32, #tpu.memory_space<vmem>>) semaphore(%arg17 : memref<!tpu.dma_semaphore, #tpu.memory_space<semaphore_mem>>)
      } else {
      }
      %mul3A_173 = arith.constant 4 : i32
      %mul3A_174 = arith.muli %mul3A_173, %scan3A_78 : i32
      %add3A_175 = arith.constant 2 : i32
      %add3A_176 = arith.addi %mul3A_174, %add3A_175 : i32
      %add3A_177 = arith.constant 2 : i32
      %add3A_178 = arith.addi %add3A_176, %add3A_177 : i32
      %lt3A_179 = arith.constant 200 : i32
      %lt3A_180 = arith.cmpi slt, %add3A_176, %lt3A_179 : i32
      %convert_element_type3A_181 = arith.extui %lt3A_180 : i1 to i32
      %cond3A_182 = arith.constant 0 : i32
      %cond3A_183 = arith.cmpi ne, %convert_element_type3A_181, %cond3A_182 : i32
      scf.if %cond3A_183 {
        %dma_wait3A_273 = arith.constant 0 : i32
        %dma_wait3A_274 = arith.constant 0 : i32
        %dma_wait3A_275 = tpu.memref_slice %arg4[%dma_wait3A_273, %dma_wait3A_274] : memref<100000x64xf32, #tpu.memory_space<hbm>> -> memref<256x64xf32, #tpu.memory_space<hbm>>
        %dma_wait3A_276 = arith.constant 0 : i32
        %dma_wait3A_277 = arith.constant 0 : i32
        %dma_wait3A_278 = tpu.memref_slice %arg4[%dma_wait3A_276, %dma_wait3A_277] : memref<100000x64xf32, #tpu.memory_space<hbm>> -> memref<256x64xf32, #tpu.memory_space<hbm>>
        tpu.wait_dma2 semaphore(%arg16 : memref<!tpu.dma_semaphore, #tpu.memory_space<semaphore_mem>>) src(%dma_wait3A_278 : memref<256x64xf32, #tpu.memory_space<hbm>>) dst(%arg12 : memref<256x64xf32, #tpu.memory_space<vmem>>)
      } else {
      }
      %lt3A_184 = arith.constant 100 : i32
      %lt3A_185 = arith.cmpi slt, %add3A_176, %lt3A_184 : i32
      %convert_element_type3A_186 = arith.extui %lt3A_185 : i1 to i32
      %cond3A_187 = arith.constant 0 : i32
      %cond3A_188 = arith.cmpi ne, %convert_element_type3A_186, %cond3A_187 : i32
      scf.if %cond3A_188 {
        %mul3A_273 = arith.constant 256 : i32
        %mul3A_274 = arith.muli %add3A_176, %mul3A_273 : i32
        %add3A_275 = arith.addi %mul3A_2, %mul3A_274 : i32
        %dma_start3A_276 = arith.constant 0 : i32
        %dma_start3A_277 = tpu.memref_slice %arg6[%add3A_275, %dma_start3A_276] : memref<819200x64xf32, #tpu.memory_space<hbm>> -> memref<256x64xf32, #tpu.memory_space<hbm>>
        %dma_start3A_278 = arith.constant 0 : i32
        %dma_start3A_279 = tpu.memref_slice %arg6[%add3A_275, %dma_start3A_278] : memref<819200x64xf32, #tpu.memory_space<hbm>> -> memref<256x64xf32, #tpu.memory_space<hbm>>
        tpu.enqueue_dma source(%arg12 : memref<256x64xf32, #tpu.memory_space<vmem>>) target(%dma_start3A_279 : memref<256x64xf32, #tpu.memory_space<hbm>>) target_semaphore(%arg20 : memref<!tpu.dma_semaphore, #tpu.memory_space<semaphore_mem>>)
      } else {
      }
      %ge3A_189 = arith.constant 100 : i32
      %ge3A_190 = arith.cmpi sge, %add3A_176, %ge3A_189 : i32
      %lt3A_191 = arith.constant 200 : i32
      %lt3A_192 = arith.cmpi slt, %add3A_176, %lt3A_191 : i32
      %and3A_193 = arith.andi %ge3A_190, %lt3A_192 : i1
      %convert_element_type3A_194 = arith.extui %and3A_193 : i1 to i32
      %cond3A_195 = arith.constant 0 : i32
      %cond3A_196 = arith.cmpi ne, %convert_element_type3A_194, %cond3A_195 : i32
      scf.if %cond3A_196 {
        %sub3A = arith.constant 100 : i32
        %sub3A_273 = arith.subi %add3A_176, %sub3A : i32
        %mul3A_274 = arith.constant 256 : i32
        %mul3A_275 = arith.muli %sub3A_273, %mul3A_274 : i32
        %add3A_276 = arith.addi %mul3A_2, %mul3A_275 : i32
        %dma_start3A_277 = arith.constant 0 : i32
        %dma_start3A_278 = tpu.memref_slice %arg7[%add3A_276, %dma_start3A_277] : memref<819200x64xf32, #tpu.memory_space<hbm>> -> memref<256x64xf32, #tpu.memory_space<hbm>>
        %dma_start3A_279 = arith.constant 0 : i32
        %dma_start3A_280 = tpu.memref_slice %arg7[%add3A_276, %dma_start3A_279] : memref<819200x64xf32, #tpu.memory_space<hbm>> -> memref<256x64xf32, #tpu.memory_space<hbm>>
        tpu.enqueue_dma source(%arg12 : memref<256x64xf32, #tpu.memory_space<vmem>>) target(%dma_start3A_280 : memref<256x64xf32, #tpu.memory_space<hbm>>) target_semaphore(%arg20 : memref<!tpu.dma_semaphore, #tpu.memory_space<semaphore_mem>>)
      } else {
      }
      %lt3A_197 = arith.constant 200 : i32
      %lt3A_198 = arith.cmpi slt, %add3A_178, %lt3A_197 : i32
      %ge3A_199 = arith.constant 2 : i32
      %ge3A_200 = arith.cmpi sge, %add3A_176, %ge3A_199 : i32
      %and3A_201 = arith.andi %lt3A_198, %ge3A_200 : i1
      %convert_element_type3A_202 = arith.extui %and3A_201 : i1 to i32
      %cond3A_203 = arith.constant 0 : i32
      %cond3A_204 = arith.cmpi ne, %convert_element_type3A_202, %cond3A_203 : i32
      scf.if %cond3A_204 {
        %dma_wait3A_273 = arith.constant 0 : i32
        %dma_wait3A_274 = arith.constant 0 : i32
        %dma_wait3A_275 = tpu.memref_slice %arg6[%dma_wait3A_273, %dma_wait3A_274] : memref<819200x64xf32, #tpu.memory_space<hbm>> -> memref<256x64xf32, #tpu.memory_space<hbm>>
        %dma_wait3A_276 = arith.constant 0 : i32
        %dma_wait3A_277 = arith.constant 0 : i32
        %dma_wait3A_278 = tpu.memref_slice %arg6[%dma_wait3A_276, %dma_wait3A_277] : memref<819200x64xf32, #tpu.memory_space<hbm>> -> memref<256x64xf32, #tpu.memory_space<hbm>>
        tpu.wait_dma2 semaphore(%arg18 : memref<!tpu.dma_semaphore, #tpu.memory_space<semaphore_mem>>) src(%arg10 : memref<256x64xf32, #tpu.memory_space<vmem>>) dst(%dma_wait3A_278 : memref<256x64xf32, #tpu.memory_space<hbm>>)
      } else {
      }
      %eq3A_205 = arith.constant 100 : i32
      %eq3A_206 = arith.cmpi eq, %add3A_178, %eq3A_205 : i32
      %convert_element_type3A_207 = arith.extui %eq3A_206 : i1 to i32
      %cond3A_208 = arith.constant 0 : i32
      %cond3A_209 = arith.cmpi ne, %convert_element_type3A_207, %cond3A_208 : i32
      scf.if %cond3A_209 {
        %dma_wait3A_273 = arith.constant 0 : i32
        %dma_wait3A_274 = arith.constant 0 : i32
        %dma_wait3A_275 = tpu.memref_slice %arg3[%dma_wait3A_273, %dma_wait3A_274] : memref<6400x128xi32, #tpu.memory_space<hbm>> -> memref<200x128xi32, #tpu.memory_space<hbm>>
        %dma_wait3A_276 = arith.constant 0 : i32
        %dma_wait3A_277 = arith.constant 0 : i32
        %dma_wait3A_278 = tpu.memref_slice %arg3[%dma_wait3A_276, %dma_wait3A_277] : memref<6400x128xi32, #tpu.memory_space<hbm>> -> memref<200x128xi32, #tpu.memory_space<hbm>>
        tpu.wait_dma2 semaphore(%arg22 : memref<!tpu.dma_semaphore, #tpu.memory_space<semaphore_mem>>) src(%dma_wait3A_278 : memref<200x128xi32, #tpu.memory_space<hbm>>) dst(%arg9 : memref<200x128xi32, #tpu.memory_space<vmem>>)
      } else {
      }
      %lt3A_210 = arith.constant 100 : i32
      %lt3A_211 = arith.cmpi slt, %add3A_178, %lt3A_210 : i32
      %convert_element_type3A_212 = arith.extui %lt3A_211 : i1 to i32
      %cond3A_213 = arith.constant 0 : i32
      %cond3A_214 = arith.cmpi ne, %convert_element_type3A_212, %cond3A_213 : i32
      scf.if %cond3A_214 {
        %mul3A_273 = arith.constant 2 : i32
        %mul3A_274 = arith.muli %add3A_178, %mul3A_273 : i32
        %add3A_275 = arith.constant 0 : i32
        %add3A_276 = arith.addi %mul3A_274, %add3A_275 : i32
        %dma_start3A_277 = arith.constant 0 : i32
        %dma_start3A_278 = arith.constant 0 : i32
        %dma_start3A_279 = tpu.memref_slice %arg10[%dma_start3A_277, %dma_start3A_278] : memref<256x64xf32, #tpu.memory_space<vmem>> -> memref<128x64xf32, #tpu.memory_space<vmem>>
        %dma_start3A_280 = arith.constant 0 : i32
        %dma_start3A_281 = tpu.memref_slice %arg8[%add3A_276, %dma_start3A_280] : memref<200x128xi32, #tpu.memory_space<vmem>> -> memref<1x128xi32, #tpu.memory_space<vmem>>
        %dma_start3A_282 = tpu.memref_squeeze %dma_start3A_281 : memref<1x128xi32, #tpu.memory_space<vmem>> -> memref<128xi32, #tpu.memory_space<vmem>>
        %dma_start3A_283 = arith.constant 0 : i32
        %dma_start3A_284 = arith.constant 0 : i32
        %dma_start3A_285 = tpu.memref_slice %arg4[%dma_start3A_283, %dma_start3A_284] : memref<100000x64xf32, #tpu.memory_space<hbm>> -> memref<100000x64xf32, #tpu.memory_space<hbm>>
        tpu.enqueue_indirect_dma source(%dma_start3A_285 : memref<100000x64xf32, #tpu.memory_space<hbm>>) target(%dma_start3A_279 : memref<128x64xf32, #tpu.memory_space<vmem>>) offsets(%dma_start3A_282 : memref<128xi32, #tpu.memory_space<vmem>>) semaphore(%arg14 : memref<!tpu.dma_semaphore, #tpu.memory_space<semaphore_mem>>)
        %mul3A_286 = arith.constant 2 : i32
        %mul3A_287 = arith.muli %add3A_178, %mul3A_286 : i32
        %add3A_288 = arith.constant 1 : i32
        %add3A_289 = arith.addi %mul3A_287, %add3A_288 : i32
        %dma_start3A_290 = arith.constant 128 : i32
        %dma_start3A_291 = arith.constant 0 : i32
        %dma_start3A_292 = tpu.memref_slice %arg10[%dma_start3A_290, %dma_start3A_291] : memref<256x64xf32, #tpu.memory_space<vmem>> -> memref<128x64xf32, #tpu.memory_space<vmem>>
        %dma_start3A_293 = arith.constant 0 : i32
        %dma_start3A_294 = tpu.memref_slice %arg8[%add3A_289, %dma_start3A_293] : memref<200x128xi32, #tpu.memory_space<vmem>> -> memref<1x128xi32, #tpu.memory_space<vmem>>
        %dma_start3A_295 = tpu.memref_squeeze %dma_start3A_294 : memref<1x128xi32, #tpu.memory_space<vmem>> -> memref<128xi32, #tpu.memory_space<vmem>>
        %dma_start3A_296 = arith.constant 0 : i32
        %dma_start3A_297 = arith.constant 0 : i32
        %dma_start3A_298 = tpu.memref_slice %arg4[%dma_start3A_296, %dma_start3A_297] : memref<100000x64xf32, #tpu.memory_space<hbm>> -> memref<100000x64xf32, #tpu.memory_space<hbm>>
        tpu.enqueue_indirect_dma source(%dma_start3A_298 : memref<100000x64xf32, #tpu.memory_space<hbm>>) target(%dma_start3A_292 : memref<128x64xf32, #tpu.memory_space<vmem>>) offsets(%dma_start3A_295 : memref<128xi32, #tpu.memory_space<vmem>>) semaphore(%arg14 : memref<!tpu.dma_semaphore, #tpu.memory_space<semaphore_mem>>)
      } else {
      }
      %ge3A_215 = arith.constant 100 : i32
      %ge3A_216 = arith.cmpi sge, %add3A_178, %ge3A_215 : i32
      %lt3A_217 = arith.constant 200 : i32
      %lt3A_218 = arith.cmpi slt, %add3A_178, %lt3A_217 : i32
      %and3A_219 = arith.andi %ge3A_216, %lt3A_218 : i1
      %convert_element_type3A_220 = arith.extui %and3A_219 : i1 to i32
      %cond3A_221 = arith.constant 0 : i32
      %cond3A_222 = arith.cmpi ne, %convert_element_type3A_220, %cond3A_221 : i32
      scf.if %cond3A_222 {
        %sub3A = arith.constant 100 : i32
        %sub3A_273 = arith.subi %add3A_178, %sub3A : i32
        %mul3A_274 = arith.constant 2 : i32
        %mul3A_275 = arith.muli %sub3A_273, %mul3A_274 : i32
        %add3A_276 = arith.constant 0 : i32
        %add3A_277 = arith.addi %mul3A_275, %add3A_276 : i32
        %dma_start3A_278 = arith.constant 0 : i32
        %dma_start3A_279 = arith.constant 0 : i32
        %dma_start3A_280 = tpu.memref_slice %arg10[%dma_start3A_278, %dma_start3A_279] : memref<256x64xf32, #tpu.memory_space<vmem>> -> memref<128x64xf32, #tpu.memory_space<vmem>>
        %dma_start3A_281 = arith.constant 0 : i32
        %dma_start3A_282 = tpu.memref_slice %arg9[%add3A_277, %dma_start3A_281] : memref<200x128xi32, #tpu.memory_space<vmem>> -> memref<1x128xi32, #tpu.memory_space<vmem>>
        %dma_start3A_283 = tpu.memref_squeeze %dma_start3A_282 : memref<1x128xi32, #tpu.memory_space<vmem>> -> memref<128xi32, #tpu.memory_space<vmem>>
        %dma_start3A_284 = arith.constant 0 : i32
        %dma_start3A_285 = arith.constant 0 : i32
        %dma_start3A_286 = tpu.memref_slice %arg5[%dma_start3A_284, %dma_start3A_285] : memref<100000x64xf32, #tpu.memory_space<hbm>> -> memref<100000x64xf32, #tpu.memory_space<hbm>>
        tpu.enqueue_indirect_dma source(%dma_start3A_286 : memref<100000x64xf32, #tpu.memory_space<hbm>>) target(%dma_start3A_280 : memref<128x64xf32, #tpu.memory_space<vmem>>) offsets(%dma_start3A_283 : memref<128xi32, #tpu.memory_space<vmem>>) semaphore(%arg14 : memref<!tpu.dma_semaphore, #tpu.memory_space<semaphore_mem>>)
        %mul3A_287 = arith.constant 2 : i32
        %mul3A_288 = arith.muli %sub3A_273, %mul3A_287 : i32
        %add3A_289 = arith.constant 1 : i32
        %add3A_290 = arith.addi %mul3A_288, %add3A_289 : i32
        %dma_start3A_291 = arith.constant 128 : i32
        %dma_start3A_292 = arith.constant 0 : i32
        %dma_start3A_293 = tpu.memref_slice %arg10[%dma_start3A_291, %dma_start3A_292] : memref<256x64xf32, #tpu.memory_space<vmem>> -> memref<128x64xf32, #tpu.memory_space<vmem>>
        %dma_start3A_294 = arith.constant 0 : i32
        %dma_start3A_295 = tpu.memref_slice %arg9[%add3A_290, %dma_start3A_294] : memref<200x128xi32, #tpu.memory_space<vmem>> -> memref<1x128xi32, #tpu.memory_space<vmem>>
        %dma_start3A_296 = tpu.memref_squeeze %dma_start3A_295 : memref<1x128xi32, #tpu.memory_space<vmem>> -> memref<128xi32, #tpu.memory_space<vmem>>
        %dma_start3A_297 = arith.constant 0 : i32
        %dma_start3A_298 = arith.constant 0 : i32
        %dma_start3A_299 = tpu.memref_slice %arg5[%dma_start3A_297, %dma_start3A_298] : memref<100000x64xf32, #tpu.memory_space<hbm>> -> memref<100000x64xf32, #tpu.memory_space<hbm>>
        tpu.enqueue_indirect_dma source(%dma_start3A_299 : memref<100000x64xf32, #tpu.memory_space<hbm>>) target(%dma_start3A_293 : memref<128x64xf32, #tpu.memory_space<vmem>>) offsets(%dma_start3A_296 : memref<128xi32, #tpu.memory_space<vmem>>) semaphore(%arg14 : memref<!tpu.dma_semaphore, #tpu.memory_space<semaphore_mem>>)
      } else {
      }
      %mul3A_223 = arith.constant 4 : i32
      %mul3A_224 = arith.muli %mul3A_223, %scan3A_78 : i32
      %add3A_225 = arith.constant 3 : i32
      %add3A_226 = arith.addi %mul3A_224, %add3A_225 : i32
      %add3A_227 = arith.constant 2 : i32
      %add3A_228 = arith.addi %add3A_226, %add3A_227 : i32
      %lt3A_229 = arith.constant 200 : i32
      %lt3A_230 = arith.cmpi slt, %add3A_226, %lt3A_229 : i32
      %convert_element_type3A_231 = arith.extui %lt3A_230 : i1 to i32
      %cond3A_232 = arith.constant 0 : i32
      %cond3A_233 = arith.cmpi ne, %convert_element_type3A_231, %cond3A_232 : i32
      scf.if %cond3A_233 {
        %dma_wait3A_273 = arith.constant 0 : i32
        %dma_wait3A_274 = arith.constant 0 : i32
        %dma_wait3A_275 = tpu.memref_slice %arg4[%dma_wait3A_273, %dma_wait3A_274] : memref<100000x64xf32, #tpu.memory_space<hbm>> -> memref<256x64xf32, #tpu.memory_space<hbm>>
        %dma_wait3A_276 = arith.constant 0 : i32
        %dma_wait3A_277 = arith.constant 0 : i32
        %dma_wait3A_278 = tpu.memref_slice %arg4[%dma_wait3A_276, %dma_wait3A_277] : memref<100000x64xf32, #tpu.memory_space<hbm>> -> memref<256x64xf32, #tpu.memory_space<hbm>>
        tpu.wait_dma2 semaphore(%arg17 : memref<!tpu.dma_semaphore, #tpu.memory_space<semaphore_mem>>) src(%dma_wait3A_278 : memref<256x64xf32, #tpu.memory_space<hbm>>) dst(%arg13 : memref<256x64xf32, #tpu.memory_space<vmem>>)
      } else {
      }
      %lt3A_234 = arith.constant 100 : i32
      %lt3A_235 = arith.cmpi slt, %add3A_226, %lt3A_234 : i32
      %convert_element_type3A_236 = arith.extui %lt3A_235 : i1 to i32
      %cond3A_237 = arith.constant 0 : i32
      %cond3A_238 = arith.cmpi ne, %convert_element_type3A_236, %cond3A_237 : i32
      scf.if %cond3A_238 {
        %mul3A_273 = arith.constant 256 : i32
        %mul3A_274 = arith.muli %add3A_226, %mul3A_273 : i32
        %add3A_275 = arith.addi %mul3A_2, %mul3A_274 : i32
        %dma_start3A_276 = arith.constant 0 : i32
        %dma_start3A_277 = tpu.memref_slice %arg6[%add3A_275, %dma_start3A_276] : memref<819200x64xf32, #tpu.memory_space<hbm>> -> memref<256x64xf32, #tpu.memory_space<hbm>>
        %dma_start3A_278 = arith.constant 0 : i32
        %dma_start3A_279 = tpu.memref_slice %arg6[%add3A_275, %dma_start3A_278] : memref<819200x64xf32, #tpu.memory_space<hbm>> -> memref<256x64xf32, #tpu.memory_space<hbm>>
        tpu.enqueue_dma source(%arg13 : memref<256x64xf32, #tpu.memory_space<vmem>>) target(%dma_start3A_279 : memref<256x64xf32, #tpu.memory_space<hbm>>) target_semaphore(%arg21 : memref<!tpu.dma_semaphore, #tpu.memory_space<semaphore_mem>>)
      } else {
      }
      %ge3A_239 = arith.constant 100 : i32
      %ge3A_240 = arith.cmpi sge, %add3A_226, %ge3A_239 : i32
      %lt3A_241 = arith.constant 200 : i32
      %lt3A_242 = arith.cmpi slt, %add3A_226, %lt3A_241 : i32
      %and3A_243 = arith.andi %ge3A_240, %lt3A_242 : i1
      %convert_element_type3A_244 = arith.extui %and3A_243 : i1 to i32
      %cond3A_245 = arith.constant 0 : i32
      %cond3A_246 = arith.cmpi ne, %convert_element_type3A_244, %cond3A_245 : i32
      scf.if %cond3A_246 {
        %sub3A = arith.constant 100 : i32
        %sub3A_273 = arith.subi %add3A_226, %sub3A : i32
        %mul3A_274 = arith.constant 256 : i32
        %mul3A_275 = arith.muli %sub3A_273, %mul3A_274 : i32
        %add3A_276 = arith.addi %mul3A_2, %mul3A_275 : i32
        %dma_start3A_277 = arith.constant 0 : i32
        %dma_start3A_278 = tpu.memref_slice %arg7[%add3A_276, %dma_start3A_277] : memref<819200x64xf32, #tpu.memory_space<hbm>> -> memref<256x64xf32, #tpu.memory_space<hbm>>
        %dma_start3A_279 = arith.constant 0 : i32
        %dma_start3A_280 = tpu.memref_slice %arg7[%add3A_276, %dma_start3A_279] : memref<819200x64xf32, #tpu.memory_space<hbm>> -> memref<256x64xf32, #tpu.memory_space<hbm>>
        tpu.enqueue_dma source(%arg13 : memref<256x64xf32, #tpu.memory_space<vmem>>) target(%dma_start3A_280 : memref<256x64xf32, #tpu.memory_space<hbm>>) target_semaphore(%arg21 : memref<!tpu.dma_semaphore, #tpu.memory_space<semaphore_mem>>)
      } else {
      }
      %lt3A_247 = arith.constant 200 : i32
      %lt3A_248 = arith.cmpi slt, %add3A_228, %lt3A_247 : i32
      %ge3A_249 = arith.constant 2 : i32
      %ge3A_250 = arith.cmpi sge, %add3A_226, %ge3A_249 : i32
      %and3A_251 = arith.andi %lt3A_248, %ge3A_250 : i1
      %convert_element_type3A_252 = arith.extui %and3A_251 : i1 to i32
      %cond3A_253 = arith.constant 0 : i32
      %cond3A_254 = arith.cmpi ne, %convert_element_type3A_252, %cond3A_253 : i32
      scf.if %cond3A_254 {
        %dma_wait3A_273 = arith.constant 0 : i32
        %dma_wait3A_274 = arith.constant 0 : i32
        %dma_wait3A_275 = tpu.memref_slice %arg6[%dma_wait3A_273, %dma_wait3A_274] : memref<819200x64xf32, #tpu.memory_space<hbm>> -> memref<256x64xf32, #tpu.memory_space<hbm>>
        %dma_wait3A_276 = arith.constant 0 : i32
        %dma_wait3A_277 = arith.constant 0 : i32
        %dma_wait3A_278 = tpu.memref_slice %arg6[%dma_wait3A_276, %dma_wait3A_277] : memref<819200x64xf32, #tpu.memory_space<hbm>> -> memref<256x64xf32, #tpu.memory_space<hbm>>
        tpu.wait_dma2 semaphore(%arg19 : memref<!tpu.dma_semaphore, #tpu.memory_space<semaphore_mem>>) src(%arg11 : memref<256x64xf32, #tpu.memory_space<vmem>>) dst(%dma_wait3A_278 : memref<256x64xf32, #tpu.memory_space<hbm>>)
      } else {
      }
      %eq3A_255 = arith.constant 100 : i32
      %eq3A_256 = arith.cmpi eq, %add3A_228, %eq3A_255 : i32
      %convert_element_type3A_257 = arith.extui %eq3A_256 : i1 to i32
      %cond3A_258 = arith.constant 0 : i32
      %cond3A_259 = arith.cmpi ne, %convert_element_type3A_257, %cond3A_258 : i32
      scf.if %cond3A_259 {
        %dma_wait3A_273 = arith.constant 0 : i32
        %dma_wait3A_274 = arith.constant 0 : i32
        %dma_wait3A_275 = tpu.memref_slice %arg3[%dma_wait3A_273, %dma_wait3A_274] : memref<6400x128xi32, #tpu.memory_space<hbm>> -> memref<200x128xi32, #tpu.memory_space<hbm>>
        %dma_wait3A_276 = arith.constant 0 : i32
        %dma_wait3A_277 = arith.constant 0 : i32
        %dma_wait3A_278 = tpu.memref_slice %arg3[%dma_wait3A_276, %dma_wait3A_277] : memref<6400x128xi32, #tpu.memory_space<hbm>> -> memref<200x128xi32, #tpu.memory_space<hbm>>
        tpu.wait_dma2 semaphore(%arg22 : memref<!tpu.dma_semaphore, #tpu.memory_space<semaphore_mem>>) src(%dma_wait3A_278 : memref<200x128xi32, #tpu.memory_space<hbm>>) dst(%arg9 : memref<200x128xi32, #tpu.memory_space<vmem>>)
      } else {
      }
      %lt3A_260 = arith.constant 100 : i32
      %lt3A_261 = arith.cmpi slt, %add3A_228, %lt3A_260 : i32
      %convert_element_type3A_262 = arith.extui %lt3A_261 : i1 to i32
      %cond3A_263 = arith.constant 0 : i32
      %cond3A_264 = arith.cmpi ne, %convert_element_type3A_262, %cond3A_263 : i32
      scf.if %cond3A_264 {
        %mul3A_273 = arith.constant 2 : i32
        %mul3A_274 = arith.muli %add3A_228, %mul3A_273 : i32
        %add3A_275 = arith.constant 0 : i32
        %add3A_276 = arith.addi %mul3A_274, %add3A_275 : i32
        %dma_start3A_277 = arith.constant 0 : i32
        %dma_start3A_278 = arith.constant 0 : i32
        %dma_start3A_279 = tpu.memref_slice %arg11[%dma_start3A_277, %dma_start3A_278] : memref<256x64xf32, #tpu.memory_space<vmem>> -> memref<128x64xf32, #tpu.memory_space<vmem>>
        %dma_start3A_280 = arith.constant 0 : i32
        %dma_start3A_281 = tpu.memref_slice %arg8[%add3A_276, %dma_start3A_280] : memref<200x128xi32, #tpu.memory_space<vmem>> -> memref<1x128xi32, #tpu.memory_space<vmem>>
        %dma_start3A_282 = tpu.memref_squeeze %dma_start3A_281 : memref<1x128xi32, #tpu.memory_space<vmem>> -> memref<128xi32, #tpu.memory_space<vmem>>
        %dma_start3A_283 = arith.constant 0 : i32
        %dma_start3A_284 = arith.constant 0 : i32
        %dma_start3A_285 = tpu.memref_slice %arg4[%dma_start3A_283, %dma_start3A_284] : memref<100000x64xf32, #tpu.memory_space<hbm>> -> memref<100000x64xf32, #tpu.memory_space<hbm>>
        tpu.enqueue_indirect_dma source(%dma_start3A_285 : memref<100000x64xf32, #tpu.memory_space<hbm>>) target(%dma_start3A_279 : memref<128x64xf32, #tpu.memory_space<vmem>>) offsets(%dma_start3A_282 : memref<128xi32, #tpu.memory_space<vmem>>) semaphore(%arg15 : memref<!tpu.dma_semaphore, #tpu.memory_space<semaphore_mem>>)
        %mul3A_286 = arith.constant 2 : i32
        %mul3A_287 = arith.muli %add3A_228, %mul3A_286 : i32
        %add3A_288 = arith.constant 1 : i32
        %add3A_289 = arith.addi %mul3A_287, %add3A_288 : i32
        %dma_start3A_290 = arith.constant 128 : i32
        %dma_start3A_291 = arith.constant 0 : i32
        %dma_start3A_292 = tpu.memref_slice %arg11[%dma_start3A_290, %dma_start3A_291] : memref<256x64xf32, #tpu.memory_space<vmem>> -> memref<128x64xf32, #tpu.memory_space<vmem>>
        %dma_start3A_293 = arith.constant 0 : i32
        %dma_start3A_294 = tpu.memref_slice %arg8[%add3A_289, %dma_start3A_293] : memref<200x128xi32, #tpu.memory_space<vmem>> -> memref<1x128xi32, #tpu.memory_space<vmem>>
        %dma_start3A_295 = tpu.memref_squeeze %dma_start3A_294 : memref<1x128xi32, #tpu.memory_space<vmem>> -> memref<128xi32, #tpu.memory_space<vmem>>
        %dma_start3A_296 = arith.constant 0 : i32
        %dma_start3A_297 = arith.constant 0 : i32
        %dma_start3A_298 = tpu.memref_slice %arg4[%dma_start3A_296, %dma_start3A_297] : memref<100000x64xf32, #tpu.memory_space<hbm>> -> memref<100000x64xf32, #tpu.memory_space<hbm>>
        tpu.enqueue_indirect_dma source(%dma_start3A_298 : memref<100000x64xf32, #tpu.memory_space<hbm>>) target(%dma_start3A_292 : memref<128x64xf32, #tpu.memory_space<vmem>>) offsets(%dma_start3A_295 : memref<128xi32, #tpu.memory_space<vmem>>) semaphore(%arg15 : memref<!tpu.dma_semaphore, #tpu.memory_space<semaphore_mem>>)
      } else {
      }
      %ge3A_265 = arith.constant 100 : i32
      %ge3A_266 = arith.cmpi sge, %add3A_228, %ge3A_265 : i32
      %lt3A_267 = arith.constant 200 : i32
      %lt3A_268 = arith.cmpi slt, %add3A_228, %lt3A_267 : i32
      %and3A_269 = arith.andi %ge3A_266, %lt3A_268 : i1
      %convert_element_type3A_270 = arith.extui %and3A_269 : i1 to i32
      %cond3A_271 = arith.constant 0 : i32
      %cond3A_272 = arith.cmpi ne, %convert_element_type3A_270, %cond3A_271 : i32
      scf.if %cond3A_272 {
        %sub3A = arith.constant 100 : i32
        %sub3A_273 = arith.subi %add3A_228, %sub3A : i32
        %mul3A_274 = arith.constant 2 : i32
        %mul3A_275 = arith.muli %sub3A_273, %mul3A_274 : i32
        %add3A_276 = arith.constant 0 : i32
        %add3A_277 = arith.addi %mul3A_275, %add3A_276 : i32
        %dma_start3A_278 = arith.constant 0 : i32
        %dma_start3A_279 = arith.constant 0 : i32
        %dma_start3A_280 = tpu.memref_slice %arg11[%dma_start3A_278, %dma_start3A_279] : memref<256x64xf32, #tpu.memory_space<vmem>> -> memref<128x64xf32, #tpu.memory_space<vmem>>
        %dma_start3A_281 = arith.constant 0 : i32
        %dma_start3A_282 = tpu.memref_slice %arg9[%add3A_277, %dma_start3A_281] : memref<200x128xi32, #tpu.memory_space<vmem>> -> memref<1x128xi32, #tpu.memory_space<vmem>>
        %dma_start3A_283 = tpu.memref_squeeze %dma_start3A_282 : memref<1x128xi32, #tpu.memory_space<vmem>> -> memref<128xi32, #tpu.memory_space<vmem>>
        %dma_start3A_284 = arith.constant 0 : i32
        %dma_start3A_285 = arith.constant 0 : i32
        %dma_start3A_286 = tpu.memref_slice %arg5[%dma_start3A_284, %dma_start3A_285] : memref<100000x64xf32, #tpu.memory_space<hbm>> -> memref<100000x64xf32, #tpu.memory_space<hbm>>
        tpu.enqueue_indirect_dma source(%dma_start3A_286 : memref<100000x64xf32, #tpu.memory_space<hbm>>) target(%dma_start3A_280 : memref<128x64xf32, #tpu.memory_space<vmem>>) offsets(%dma_start3A_283 : memref<128xi32, #tpu.memory_space<vmem>>) semaphore(%arg15 : memref<!tpu.dma_semaphore, #tpu.memory_space<semaphore_mem>>)
        %mul3A_287 = arith.constant 2 : i32
        %mul3A_288 = arith.muli %sub3A_273, %mul3A_287 : i32
        %add3A_289 = arith.constant 1 : i32
        %add3A_290 = arith.addi %mul3A_288, %add3A_289 : i32
        %dma_start3A_291 = arith.constant 128 : i32
        %dma_start3A_292 = arith.constant 0 : i32
        %dma_start3A_293 = tpu.memref_slice %arg11[%dma_start3A_291, %dma_start3A_292] : memref<256x64xf32, #tpu.memory_space<vmem>> -> memref<128x64xf32, #tpu.memory_space<vmem>>
        %dma_start3A_294 = arith.constant 0 : i32
        %dma_start3A_295 = tpu.memref_slice %arg9[%add3A_290, %dma_start3A_294] : memref<200x128xi32, #tpu.memory_space<vmem>> -> memref<1x128xi32, #tpu.memory_space<vmem>>
        %dma_start3A_296 = tpu.memref_squeeze %dma_start3A_295 : memref<1x128xi32, #tpu.memory_space<vmem>> -> memref<128xi32, #tpu.memory_space<vmem>>
        %dma_start3A_297 = arith.constant 0 : i32
        %dma_start3A_298 = arith.constant 0 : i32
        %dma_start3A_299 = tpu.memref_slice %arg5[%dma_start3A_297, %dma_start3A_298] : memref<100000x64xf32, #tpu.memory_space<hbm>> -> memref<100000x64xf32, #tpu.memory_space<hbm>>
        tpu.enqueue_indirect_dma source(%dma_start3A_299 : memref<100000x64xf32, #tpu.memory_space<hbm>>) target(%dma_start3A_293 : memref<128x64xf32, #tpu.memory_space<vmem>>) offsets(%dma_start3A_296 : memref<128xi32, #tpu.memory_space<vmem>>) semaphore(%arg15 : memref<!tpu.dma_semaphore, #tpu.memory_space<semaphore_mem>>)
      } else {
      }
    }
    %scan3A_54 = arith.constant 50 : i32
    %dma_wait3A = arith.constant 0 : i32
    %dma_wait3A_55 = arith.constant 0 : i32
    %dma_wait3A_56 = tpu.memref_slice %arg6[%dma_wait3A, %dma_wait3A_55] : memref<819200x64xf32, #tpu.memory_space<hbm>> -> memref<256x64xf32, #tpu.memory_space<hbm>>
    %dma_wait3A_57 = arith.constant 0 : i32
    %dma_wait3A_58 = arith.constant 0 : i32
    %dma_wait3A_59 = tpu.memref_slice %arg6[%dma_wait3A_57, %dma_wait3A_58] : memref<819200x64xf32, #tpu.memory_space<hbm>> -> memref<256x64xf32, #tpu.memory_space<hbm>>
    tpu.wait_dma2 semaphore(%arg18 : memref<!tpu.dma_semaphore, #tpu.memory_space<semaphore_mem>>) src(%arg10 : memref<256x64xf32, #tpu.memory_space<vmem>>) dst(%dma_wait3A_59 : memref<256x64xf32, #tpu.memory_space<hbm>>)
    %dma_wait3A_60 = arith.constant 0 : i32
    %dma_wait3A_61 = arith.constant 0 : i32
    %dma_wait3A_62 = tpu.memref_slice %arg6[%dma_wait3A_60, %dma_wait3A_61] : memref<819200x64xf32, #tpu.memory_space<hbm>> -> memref<256x64xf32, #tpu.memory_space<hbm>>
    %dma_wait3A_63 = arith.constant 0 : i32
    %dma_wait3A_64 = arith.constant 0 : i32
    %dma_wait3A_65 = tpu.memref_slice %arg6[%dma_wait3A_63, %dma_wait3A_64] : memref<819200x64xf32, #tpu.memory_space<hbm>> -> memref<256x64xf32, #tpu.memory_space<hbm>>
    tpu.wait_dma2 semaphore(%arg19 : memref<!tpu.dma_semaphore, #tpu.memory_space<semaphore_mem>>) src(%arg11 : memref<256x64xf32, #tpu.memory_space<vmem>>) dst(%dma_wait3A_65 : memref<256x64xf32, #tpu.memory_space<hbm>>)
    %dma_wait3A_66 = arith.constant 0 : i32
    %dma_wait3A_67 = arith.constant 0 : i32
    %dma_wait3A_68 = tpu.memref_slice %arg6[%dma_wait3A_66, %dma_wait3A_67] : memref<819200x64xf32, #tpu.memory_space<hbm>> -> memref<256x64xf32, #tpu.memory_space<hbm>>
    %dma_wait3A_69 = arith.constant 0 : i32
    %dma_wait3A_70 = arith.constant 0 : i32
    %dma_wait3A_71 = tpu.memref_slice %arg6[%dma_wait3A_69, %dma_wait3A_70] : memref<819200x64xf32, #tpu.memory_space<hbm>> -> memref<256x64xf32, #tpu.memory_space<hbm>>
    tpu.wait_dma2 semaphore(%arg20 : memref<!tpu.dma_semaphore, #tpu.memory_space<semaphore_mem>>) src(%arg12 : memref<256x64xf32, #tpu.memory_space<vmem>>) dst(%dma_wait3A_71 : memref<256x64xf32, #tpu.memory_space<hbm>>)
    %dma_wait3A_72 = arith.constant 0 : i32
    %dma_wait3A_73 = arith.constant 0 : i32
    %dma_wait3A_74 = tpu.memref_slice %arg6[%dma_wait3A_72, %dma_wait3A_73] : memref<819200x64xf32, #tpu.memory_space<hbm>> -> memref<256x64xf32, #tpu.memory_space<hbm>>
    %dma_wait3A_75 = arith.constant 0 : i32
    %dma_wait3A_76 = arith.constant 0 : i32
    %dma_wait3A_77 = tpu.memref_slice %arg6[%dma_wait3A_75, %dma_wait3A_76] : memref<819200x64xf32, #tpu.memory_space<hbm>> -> memref<256x64xf32, #tpu.memory_space<hbm>>
    tpu.wait_dma2 semaphore(%arg21 : memref<!tpu.dma_semaphore, #tpu.memory_space<semaphore_mem>>) src(%arg13 : memref<256x64xf32, #tpu.memory_space<vmem>>) dst(%dma_wait3A_77 : memref<256x64xf32, #tpu.memory_space<hbm>>)
    return
  }
}

</mosaic_0001>

<sc_bundles>
// kernel: _emb.3.cloned.1.call-start
scs
__scs_entry_jumppad:
0x0: {  	(pc) =	sbr.rel $0x88, $3  }
0x1: {  	(tag) =	ssettag $0x0;
	lr =	simm.s32 $0x1  }
0x2: {  	[smem:$0x3F9D] =	sst lr;
	_ =	strace $0xD0000000  }
0x3: {  	_ = 	snop  }
0x4: {  	_ = 	snop  }
0x5: {  	_ = 	snop  }
0x6: {  	_ = 	snop  }
0x7: {  	_ = 	snop  }
__scs_overlays_trampoline_lowered:
0x8: {  	[smem:$0x3FAC] =	sst s0  }
0x9: {  	[smem:$0x3FAD] =	sst s1  }
0xa: {  	[smem:$0x3FAE] =	sst s2  }
0xb: {  	[smem:$0x3FAF] =	sst s3  }
0xc: {  	[smem:$0x3FB0] =	sst s4  }
0xd: {  	[smem:$0x3FB1] =	sst s5  }
0xe: {  	[smem:$0x3FB2] =	sst s6  }
0xf: {  	[smem:$0x3FB3] =	sst s7  }
0x10: {  	[smem:$0x3FB4] =	sst s8  }
0x11: {  	[smem:$0x3FB5] =	sst s9;
	s0 =	simm.s32 @!p0 $0x0  }
0x12: {  	s1 =	sld [smem:$0x3F9B];
	s0 =	simm.s32 @p0 $0x1  }
0x13: {  	[smem:$0x3FB6] =	sst s0;
	s0 =	simm.s32 @!p1 $0x0  }
0x14: {  	s2 =	sld [smem:$0x3F9A];
	s0 =	simm.s32 @p1 $0x1  }
0x15: {  	[smem:$0x3FB7] =	sst s0;
	s0 =	simm.s32 @!p2 $0x0  }
0x16: {  	s3 =	sld [smem:$0x3FDB];
	s0 =	simm.s32 @p2 $0x1  }
0x17: {  	s4 =	simm.s32 $0x1BF5;
	[smem:$0x3FB9] =	sst s0  }
0x18: {  	s0 =	sld [smem:$0x3F9C];
	_ =	swait.ge [sflag:s4], $0x0  }
0x19: {  	s7 =	sld [smem:$0x3F9D]  }
0x1a: {  	s8 =	sadd.s32 $0xFFFFE003, lr  }
0x1b: {  	s9 =	sadd.s32 $0xFFFFFEF7, lr;
	s5 =	simm.s32 $0xFFFFFFFF;
	p2 =	slt.u32 s8, $0xFFFFF086  }
0x1c: {  	p1 =	slt.u32 s9, $0xF7A;
	s5 =	simm.s32 @!p2 $0x0  }
0x1d: {  	s5 =	simm.s32 @p1 $0x1;
	p0 =	seq.s32 s7, s2  }
0x1e: {  	s7 =	smul.u32 @!p0 $0xF7A, s2;
	p2 =	seq.s32 @!p0 s5, $0x0  }
0x1f: {  	s9 =	smul.u32 $0xF7A, s1;
	s8 =	simm.s32 @!p0 $0x1BF5;
	p2 =	por !p2, p0  }
0x20: {  	[sflag:s8] =	ssyncset.s32 @!p0 $0xFFFFF086;
	s6 =	sadd.s32 @!p0 s3, s7;
	s7 =	simm.s32 @!p0 $0x108  }
0x21: {  	s3 =	sadd.s32 s3, s9;
	s6 =	sadd.s32 @!p0 $0x88, s6;
	s7 =	simm.s32 @p2 $0x1082  }
0x22: {  	[simem:s7], [sflag:s8] =	dma.local @!p0 [hbm:s6], $0xF7A  }
0x23: {  	s9 =	sor.u32 $0xD0000000, s2;
	s6 =	simm.s32 $0x108;
	_ =	swait.ge @!p0 [sflag:s8], $0x0  }
0x24: {  	s3 =	sadd.s32 $0x88, s3;
	s6 =	simm.s32 @!p1 $0x1082;
	[sflag:s4] =	ssyncset.s32 $0xFFFFF086  }
0x25: {  	[simem:s6], [sflag:s4] =	dma.local [hbm:s3], $0xF7A  }
0x26: {  	[smem:$0x3F9D] =	sst s1;
	(tag) =	ssettag s2;
	_ =	strace s9  }
0x27: {  	s1 =	sld [smem:$0x3FAD]  }
0x28: {  	s2 =	sld [smem:$0x3FAE]  }
0x29: {  	s4 =	sld [smem:$0x3FB0]  }
0x2a: {  	p0 =	seq.s32 s5, $0x0;
	s5 =	sld [smem:$0x3FB1]  }
0x2b: {  	s6 =	sld [smem:$0x3FB2]  }
0x2c: {  	s7 =	sld [smem:$0x3FB3]  }
0x2d: {  	s3 =	simm.s32 $0x108;
	s8 =	sld [smem:$0x3FB4]  }
0x2e: {  	s3 =	simm.s32 @!p0 $0x1082;
	s9 =	sld [smem:$0x3FB5]  }
0x2f: {  	lr =	sadd.s32 s0, s3;
	s0 =	sld [smem:$0x3FAC]  }
0x30: {  	s3 =	sld [smem:$0x3FAF]  }
0x31: {  	[smem:$0x3FB8] =	sst s10  }
0x32: {  	s10 =	sld [smem:$0x3FB6];
	_ =	sdelay $0x3  }
0x33: {  	p0 =	seq.s32 s10, $0x1;
	s10 =	sld [smem:$0x3FB8];
	_ =	sdelay $0x3  }
0x34: {  	[smem:$0x3FB8] =	sst s10  }
0x35: {  	s10 =	sld [smem:$0x3FB7];
	_ =	sdelay $0x3  }
0x36: {  	p1 =	seq.s32 s10, $0x1;
	s10 =	sld [smem:$0x3FB8];
	_ =	sdelay $0x3  }
0x37: {  	[smem:$0x3FB8] =	sst s10  }
0x38: {  	s10 =	sld [smem:$0x3FB9]  }
0x39: {  	_ = 	snop;
	(pc) =	sbr.ind lr, $3  }
0x3a: {  	_ = 	snop  }
0x3b: {  	_ = 	snop  }
0x3c: {  	p2 =	seq.s32 s10, $0x1;
	s10 =	sld [smem:$0x3FB8]  }
0x3d: {  	_ =	shalt  }
0x3e: {  	_ =	shalt  }
0x3f: {  	_ =	shalt  }
0x40: {  	_ =	shalt  }
0x41: {  	_ =	shalt  }
0x42: {  	_ =	shalt  }
0x43: {  	_ =	shalt  }
0x44: {  	_ =	shalt  }
0x45: {  	_ =	shalt  }
0x46: {  	_ =	shalt  }
0x47: {  	_ =	shalt  }
0x48: {  	_ =	shalt  }
0x49: {  	_ =	shalt  }
0x4a: {  	_ =	shalt  }
0x4b: {  	_ =	shalt  }
0x4c: {  	_ =	shalt  }
0x4d: {  	_ =	shalt  }
0x4e: {  	_ =	shalt  }
0x4f: {  	_ =	shalt  }
0x50: {  	_ =	shalt  }
0x51: {  	_ =	shalt  }
0x52: {  	_ =	shalt  }
0x53: {  	_ =	shalt  }
0x54: {  	_ =	shalt  }
0x55: {  	_ =	shalt  }
0x56: {  	_ =	shalt  }
0x57: {  	_ =	shalt  }
0x58: {  	_ =	shalt  }
0x59: {  	_ =	shalt  }
0x5a: {  	_ =	shalt  }
0x5b: {  	_ =	shalt  }
0x5c: {  	_ =	shalt  }
0x5d: {  	_ =	shalt  }
0x5e: {  	_ =	shalt  }
0x5f: {  	_ =	shalt  }
0x60: {  	_ =	shalt  }
0x61: {  	_ =	shalt  }
0x62: {  	_ =	shalt  }
0x63: {  	_ =	shalt  }
0x64: {  	_ =	shalt  }
0x65: {  	_ =	shalt  }
0x66: {  	_ =	shalt  }
0x67: {  	_ =	shalt  }
0x68: {  	_ =	shalt  }
0x69: {  	_ =	shalt  }
0x6a: {  	_ =	shalt  }
0x6b: {  	_ =	shalt  }
0x6c: {  	_ =	shalt  }
0x6d: {  	_ =	shalt  }
0x6e: {  	_ =	shalt  }
0x6f: {  	_ =	shalt  }
0x70: {  	_ =	shalt  }
0x71: {  	_ =	shalt  }
0x72: {  	_ =	shalt  }
0x73: {  	_ =	shalt  }
0x74: {  	_ =	shalt  }
0x75: {  	_ =	shalt  }
0x76: {  	_ =	shalt  }
0x77: {  	_ =	shalt  }
0x78: {  	_ =	shalt  }
0x79: {  	_ =	shalt  }
0x7a: {  	_ =	shalt  }
0x7b: {  	_ =	shalt  }
0x7c: {  	_ =	shalt  }
0x7d: {  	_ =	shalt  }
0x7e: {  	_ =	shalt  }
0x7f: {  	_ =	shalt  }
0x80: {  	_ =	shalt  }
0x81: {  	_ =	shalt  }
0x82: {  	_ =	shalt  }
0x83: {  	_ =	shalt  }
0x84: {  	_ =	shalt  }
0x85: {  	_ =	shalt  }
0x86: {  	_ =	shalt  }
0x87: {  	_ =	shalt  }
.Lfunc_end0:
.L_simem_size_0:
called_computation.2_lowered:
.L_overlay_start_0:
0x88: {  	s2 =	sld [smem:$0x3FD9]  }
0x89: {  	s3 =	sld [smem:$0x3FFE];
	_ =	sdelay $0x1  }
0x8a: {  	s1 =	srdreg.scid  }
0x8b: {  	s0 =	sand.u32 $0x1, s1  }
0x8c: {  	s14 =	sshll.u32 s0, $0xA;
	s2 =	sadd.s32 s3, s2  }
0x8d: {  	s2 =	sadd.s32 s2, s14  }
0x8e: {  	[smem:$0x3FC4] =	sst s2  }
0x8f: {  	_ = 	snop  }
0x90: {  	s2 =	sld [smem:$0x3FD0];
	_ =	sdelay $0x1  }
0x91: {  	s15 =	sld [smem:$0x3FC9]  }
0x92: {  	s5 =	simm.s32 $0xB;
	s6 =	simm.s32 $0x10;
	s4 =	sld [smem:$0x3FC8]  }
0x93: {  	[smem:s6], [sflag:s5] =	dma.local [hbm:s2], $0x1  }
0x94: {  	_ =	swait.eq [sflag:s5], $0x1  }
0x95: {  	[sflag:s5] =	ssyncset.done $0x0  }
0x96: {  	s16 =	sld [smem:$0x10];
	[sflag:s5] =	ssyncadd.s32 $0xFFFFFFFF  }
0x97: {  	s17 =	sld [smem:$0x11];
	(tm) =	ssettm $0x1  }
0x98: {  	s18 =	sld [smem:$0x3FFB];
	_ =	sdelay $0x3  }
0x99: {  	_ =	strace s18  }
0x9a: {  	s6 =	sld [smem:$0x3FFC];
	_ =	sdelay $0x3  }
0x9b: {  	_ =	strace s6  }
0x9c: {  	s6 =	sld [smem:$0x3FFD];
	_ =	sdelay $0x3  }
0x9d: {  	_ =	strace s6  }
0x9e: {  	_ =	strace $0x8FFFFFFF  }
0x9f: {  	s19 =	sld [smem:$0x3FDB];
	_ =	sdelay $0x1  }
0xa0: {  	s7 =	simm.s32 $_scs_section_size  }
0xa1: {  	s8 =	simm.s32 $_size__tile_overlayer_lowered;
	s9 =	simm.s32 $_tile_overlayer_lowered  }
0xa2: {  	s22 =	simm.s32 $0x1BFF;
	s21 =	sshll.u32 s9, $0x1;
	s6 =	sadd.s32 s7, s19  }
0xa3: {  	s10 =	simm.s32 $0x0;
	s20 =	sshll.u32 s8, $0x1;
	s8 =	sadd.s32 s21, s6  }
0xa4: {  	[timem:s10], [sflag:s22] =	dma.local [hbm:s8], s20  }
0xa5: {  	_ =	swait.ge [sflag:s22], s20  }
0xa6: {  	s7 =	ssub.s32 $0x0, s20;
	[sflag:s22] =	ssyncset.done $0x0  }
0xa7: {  	[sflag:s22] =	ssyncadd.s32 s7;
	_ =	sdelay $0x1  }
0xa8: {  	s23 =	simm.s32 $0x1B8B  }
0xa9: {  	_ =	swait.ge [sflag:s23], $0x1  }
0xaa: {  	[sflag:s23] =	ssyncset.done $0x0  }
0xab: {  	s25 =	simm.s32 $0x1B8E;
	s24 =	sld [smem:$0x3FFE];
	[sflag:s23] =	ssyncadd.s32 $0xFFFFFFFF  }
0xac: {  	s26 =	simm.s32 $execute0_lowered;
	[smem:$0x3FD2] =	sst s25  }
0xad: {  	s8 =	sshll.u32 s26, $0x1;
	_ =	strace $0x80000046;
	[dreg:$0x1] =	wrdreg $0xFFFFFFFF  }
0xae: {  	s28 =	simm.s32 $_size_execute0_lowered;
	s6 =	sadd.s32 s6, s8;
	[dreg:$0x0] =	wrdreg $0x0  }
0xaf: {  	s8 =	sshll.u32 s28, $0x1;
	[dreg:$0x2] =	wrdreg s6  }
0xb0: {  	[dreg:$0x3] =	wrdreg s8  }
0xb1: {  	[dreg:$0x4] =	wrdreg $0xC0  }
0xb2: {  	_ =	task [dreg:s10], $0x5FFFF  }
0xb3: {  	[dreg:$0x1] =	wrdreg $0xFFFFFFFF  }
0xb4: {  	[dreg:$0x0] =	wrdreg $0x60  }
0xb5: {  	[dreg:$0x2] =	wrdreg s15  }
0xb6: {  	[dreg:$0x3] =	wrdreg s4  }
0xb7: {  	[dreg:$0x4] =	wrdreg s24  }
0xb8: {  	[dreg:$0x5] =	wrdreg s16  }
0xb9: {  	[dreg:$0x6] =	wrdreg s17  }
0xba: {  	[dreg:$0x7] =	wrdreg $0x9  }
0xbb: {  	_ =	task.clear_ibuf [dreg:s10], $0x8FFFF;
	_ =	strace $0x90000046  }
0xbc: {  	s29 =	simm.s32 $0x9;
	_ =	strace $0x80000048  }
0xbd: {  	_ =	swait.ge [sflag:s29], $0x1  }
0xbe: {  	[sflag:s29] =	ssyncadd.s32 $0xFFFFFFFF  }
0xbf: {  	_ =	strace $0x90000048  }
0xc0: {  	_ =	sfence  }
0xc1: {  	s30 =	sld [smem:$0x0];
	_ =	sdelay $0x2  }
0xc2: {  	s31 =	sshll.u32 s1, $0xD;
	s1 =	sshrl.u32 s1, $0x2  }
0xc3: {  	s3 =	sand.u32 $0x4000, s31;
	s1 =	sadd.s32 s1, s30  }
0xc4: {  	s0 =	sor.u32 s3, s0;
	s1 =	sshll.u32 s1, $0x11  }
0xc5: {  	s0 =	sor.u32 s1, s0  }
0xc6: {  	s0 =	sadd.s32 $0x8F2B, s0  }
0xc7: {  	[sflag:s0] =	ssyncadd.remote.s32 $0x1  }
0xc8: {  	_ =	sfence.sel $0xFFFF  }
0xc9: {  	[dreg:$0x0] =	wrdreg $0xFFFFFFFF;
	(pc) =	sbr.abs _section_cstart, $3  }
0xca: {  	[dreg:$0x1] =	wrdreg $0xFFFFFFFF  }
0xcb: {  	_ =	task.clear_ibuf [dreg:s10], $0x2FFFF;
	_ =	strace $0x9FFFFFFF  }
0xcc: {  	(tm) =	ssettm $0x7FFFFFFF  }
0xcd: {  	_ =	shalt  }
tec
execute0_lowered:
.L_overlay_start_1:
0x0: {  	(tag) =	ssettag $0x1  }
0x1: {  	s0 =	rddreg [dreg:$0x0]  }
0x2: {  	s2 =	rddreg [dreg:$0x1]  }
0x3: {  	s5 =	rddreg [dreg:$0x2]  }
0x4: {  	s6 =	rddreg [dreg:$0x3]  }
0x5: {  	s1 =	rddreg [dreg:$0x4];
	s3 =	simm.s32 $0x0  }
0x6: {  	s4 =	srdreg.scid;
	s13 =	stileid.u32;
	s16 =	simm.s32 $0x80  }
0x7: {  	s28 =	simm.s32 $0x18800;
	s29 =	simm.s32 $0x1A800;
	s30 =	simm.s32 $0x3  }
0x8: {  	s31 =	simm.s32 $0x4;
	s17 =	simm.s32 $0x8;
	s9 =	smul.u32 $0x320000, s13  }
0x9: {  	s7 =	sand.u32 $0x1, s4;
	s8 =	sshll.u32 s13, $0x1;
	s13 =	smul.u32 $0x64000, s13  }
0xa: {  	[smem:$0x7FF] =	sst s3;
	s4 =	sadd.s32 $0xC6200, s5;
	s10 =	smul.u32 $0x190000, s7  }
0xb: {  	s8 =	sor.u32 s7, s8;
	s11 =	ssub.s32 $0x2, s7;
	s7 =	smul.u32 $0x32000, s7  }
0xc: {  	s5 =	sadd.s32 $0x2C00, s5;
	s8 =	smul.u32 $0xC80, s8;
	s12 =	sshrl.u32 s11, $0x1  }
0xd: {  	_ =	strace $0x80000047;
	s14 =	sadd.s32 s10, s9;
	s19 =	ssub.s32 s11, s12  }
0xe: {  	s9 =	sadd.s32 s7, s13;
	s10 =	sor.u32 $0x4000, s14;
	s2 =	sadd.s32 s2, s8  }
0xf: {  	s0 =	sadd.s32 s0, s8;
	s21 =	smax.u32 s19, $0x1;
	s22 =	sshrl.u32 s14, $0x3  }
0x10: {  	s23 =	sor.u32 $0xC000, s14;
	s24 =	sor.u32 $0x8000, s14;
	[dreg:$0x6] =	wrdreg s2  }
.Ltmp0:
0x11: {  	[dreg:$0x7] =	wrdreg s0;
	s20 =	sshrl.u32 s10, $0x3;
	(pc) =	sbr.rel .LBB2_1-.Ltmp0, $4  }
0x12: {  	[dreg:$0x8] =	wrdreg s21;
	s11 =	sadd.s32 s22, s6;
	s25 =	sshrl.u32 s23, $0x3  }
0x13: {  	s26 =	sshrl.u32 s24, $0x3;
	s23 =	simm.s32 $0x1;
	s2 =	simm.s32 $0x0  }
0x14: {  	s10 =	sadd.s32 s20, s6;
	s12 =	sadd.s32 s25, s6;
	s13 =	sadd.s32 s26, s6  }
0x15: {  	s20 =	simm.s32 $0x10800;
	s25 =	simm.s32 $0x16800;
	s26 =	simm.s32 $0x2  }
.LBB2_5:
0x16: {  	s0 =	simm.s32 $0x5  }
0x17: {  	_ =	swait.ge [sflag:s0], $0x4000  }
0x18: {  	[sflag:s0] =	ssyncset.done $0x0  }
0x19: {  	s21 =	simm.s32 $0x6;
	[sflag:s0] =	ssyncadd.s32 $0xFFFFC000  }
0x1a: {  	_ =	swait.ge [sflag:s21], $0x4000  }
0x1b: {  	[sflag:s21] =	ssyncset.done $0x0  }
0x1c: {  	s22 =	simm.s32 $0x7;
	[sflag:s21] =	ssyncadd.s32 $0xFFFFC000  }
0x1d: {  	_ =	swait.ge [sflag:s22], $0x4000  }
0x1e: {  	[sflag:s22] =	ssyncset.done $0x0  }
0x1f: {  	[sflag:s22] =	ssyncadd.s32 $0xFFFFC000  }
0x20: {  	_ =	swait.ge [sflag:s17], $0x4000  }
0x21: {  	s2 =	rddreg [dreg:$0x9]  }
0x22: {  	s24 =	rddreg [dreg:$0x8];
	s2 =	sadd.s32 $0x1, s2  }
0x23: {  	p0 =	sne.s32 s2, s24  }
.Ltmp1:
0x24: {  	_ = 	snop;
	(pc) =	sbr.rel @!p0 .LBB2_6-.Ltmp1, $3  }
0x25: {  	_ =	sdelay $0x1  }
0x26: {  	[sflag:s17] =	ssyncset.done $0x0  }
0x27: {  	[sflag:s17] =	ssyncadd.s32 $0xFFFFC000  }
.LBB2_1:
0x28: {  	[dreg:$0x9] =	wrdreg s2  }
0x29: {  	s0 =	rddreg [dreg:$0x6];
	s8 =	simm.s32 $0x6400  }
0x2a: {  	[tilespmem:s8], [sflag:$0x9] =	stream.linear.gather [hbm4b:s0+s3], $0x6400, $0x38;
	[tilespmem:$0x1C800] =	vst v63  }
0x2b: {  	s14 =	rddreg [dreg:$0x7];
	s15 =	simm.s32 $0xA  }
0x2c: {  	[tilespmem:s3], [sflag:$0xA] =	stream.linear.gather [hbm4b:s14+s3], $0x6400, $0x38;
	[tilespmem:$0x1C800] =	vst v63  }
0x2d: {  	_ =	swait.ge [sflag:s15], $0x6400  }
0x2e: {  	[sflag:s15] =	ssyncset.done $0x0  }
0x2f: {  	s18 =	simm.s32 $0xC800;
	[sflag:s15] =	ssyncadd.s32 $0xFFFF9C00  }
0x30: {  	[tilespmem:s18], [sflag:$0x1] =	stream.indirect.gather [hbm4b:s4+s16], $0x40, s3, s16, $0xb8;
	[tilespmem:$0x1C800] =	vst v63  }
0x31: {  	s19 =	simm.s32 $0xE800  }
0x32: {  	[tilespmem:s19], [sflag:$0x1] =	stream.indirect.gather [hbm4b:s4+s16], $0x40, s16, s16, $0xb8;
	[tilespmem:$0x1C800] =	vst v63  }
.Ltmp2:
0x33: {  	s21 =	simm.s32 $0x100;
	(pc) =	sbr.rel .LBB2_2-.Ltmp2, $4  }
0x34: {  	[tilespmem:s20], [sflag:$0x2] =	stream.indirect.gather [hbm4b:s4+s16], $0x40, s21, s16, $0xb8;
	[tilespmem:$0x1C800] =	vst v63  }
0x35: {  	s22 =	simm.s32 $0x180;
	s24 =	simm.s32 $0x12800;
	s6 =	simm.s32 $0x0  }
0x36: {  	[tilespmem:s24], [sflag:$0x2] =	stream.indirect.gather [hbm4b:s4+s16], $0x40, s22, s16, $0xb8;
	[tilespmem:$0x1C800] =	vst v63  }
0x37: {  	s19 =	simm.s32 $0xFFFFFF9C;
	s21 =	simm.s32 $0x0;
	s22 =	simm.s32 $0x0  }
.LBB2_3:
0x38: {  	s0 =	sadd.s32 s21, s10  }
0x39: {  	[hbm4b:s0+s3] =	stream.linear.scatter [tilespmem:s20], [sflag:$0x6], $0x4000, $0x38;
	[tilespmem:$0x1C800] =	vst v63  }
0x3a: {  	s0 =	simm.s32 @!p2 $0x8  }
0x3b: {  	_ =	swait.ge @!p2 [sflag:s0], $0x4000  }
0x3c: {  	[sflag:s0] =	ssyncset.done @!p2 $0x0  }
0x3d: {  	s18 =	sadd.s32 $0x300, s15;
	[sflag:s0] =	ssyncadd.s32 @!p2 $0xFFFFC000  }
0x3e: {  	[tilespmem:s28], [sflag:$0x4] =	stream.indirect.gather [hbm4b:s4+s16], $0x40, s18, s16, $0xb8;
	[tilespmem:$0x1C800] =	vst v63  }
0x3f: {  	s24 =	sadd.s32 $0x380, s15  }
0x40: {  	[tilespmem:s29], [sflag:$0x4] =	stream.indirect.gather [hbm4b:s4+s16], $0x40, s24, s16, $0xb8;
	[tilespmem:$0x1C800] =	vst v63  }
.LBB2_4:
0x41: {  	s0 =	sadd.s32 @!p1 $0x300, s8;
	s2 =	simm.s32 @!p1 $0x80;
	s14 =	simm.s32 @!p1 $0x18800  }
0x42: {  	[tilespmem:s14], [sflag:$0x4] =	stream.indirect.gather @!p1 [hbm4b:s5+s2], $0x40, s0, s2, $0xb8;
	[tilespmem:$0x1C800] =	vst v63  }
0x43: {  	s0 =	sadd.s32 @!p1 $0x380, s8;
	s8 =	simm.s32 @!p1 $0x1A800  }
0x44: {  	[tilespmem:s8], [sflag:$0x4] =	stream.indirect.gather @!p1 [hbm4b:s5+s2], $0x40, s0, s2, $0xb8;
	[tilespmem:$0x1C800] =	vst v63  }
0x45: {  	_ =	swait.ge [sflag:s30], $0x4000  }
0x46: {  	s0 =	sadd.s32 @!p0 s21, s13;
	[sflag:s30] =	ssyncset.done $0x0  }
0x47: {  	s2 =	simm.s32 @!p0 $0x0;
	s8 =	simm.s32 @!p0 $0x14800;
	[sflag:s30] =	ssyncadd.s32 $0xFFFFC000  }
0x48: {  	[hbm4b:s0+s2] =	stream.linear.scatter @!p0 [tilespmem:s8], [sflag:$0x7], $0x4000, $0x38;
	[tilespmem:$0x1C800] =	vst v63  }
0x49: {  	s0 =	sadd.s32 @!p1 $0x1FFCF000, s7  }
0x4a: {  	s15 =	simm.s32 @!p1 $0x14800;
	s0 =	sand.u32 @!p1 $0x1FFFF000, s0  }
0x4b: {  	p2 =	seq.s32 s22, $0x31000;
	s8 =	simm.s32 @!p1 $0x0;
	s0 =	sadd.s32 @!p1 s1, s0  }
0x4c: {  	[hbm4b:s0+s8] =	stream.linear.scatter @!p1 [tilespmem:s15], [sflag:$0x7], $0x4000, $0x38;
	[tilespmem:$0x1C800] =	vst v63  }
0x4d: {  	s0 =	simm.s32 @!p2 $0x5  }
0x4e: {  	p3 =	sne.s32 @!p2 s22, $0x18000;
	_ =	swait.ge @!p2 [sflag:s0], $0x4000  }
0x4f: {  	p3 =	por p3, p2;
	[sflag:s0] =	ssyncset.done @!p2 $0x0  }
0x50: {  	[sflag:s0] =	ssyncadd.s32 @!p2 $0xFFFFC000;
	s0 =	simm.s32 @!p3 $0x9  }
0x51: {  	_ =	swait.ge @!p3 [sflag:s0], $0x6400  }
0x52: {  	p4 =	sgt.u32 s6, $0x17;
	[sflag:s0] =	ssyncset.done @!p3 $0x0  }
0x53: {  	s19 =	sadd.s32 $0x4, s19;
	[sflag:s0] =	ssyncadd.s32 @!p3 $0xFFFF9C00;
	s0 =	sshra.s32 @!p4 s22, $0x2  }
0x54: {  	s18 =	simm.s32 @!p4 $0x80;
	s24 =	simm.s32 @!p4 $0xC800;
	s15 =	sadd.s32 @!p4 $0x400, s0  }
0x55: {  	[tilespmem:s24], [sflag:$0x1] =	stream.indirect.gather @!p4 [hbm4b:s4+s18], $0x40, s15, s18, $0xb8;
	[tilespmem:$0x1C800] =	vst v63  }
0x56: {  	p3 =	sgt.u32 s19, $0x63;
	s0 =	sadd.s32 @!p4 $0x480, s0;
	s15 =	simm.s32 @!p4 $0xE800  }
0x57: {  	[tilespmem:s15], [sflag:$0x1] =	stream.indirect.gather @!p4 [hbm4b:s4+s18], $0x40, s0, s18, $0xb8;
	[tilespmem:$0x1C800] =	vst v63  }
0x58: {  	s0 =	sshra.s32 @!p3 s22, $0x2  }
0x59: {  	s24 =	simm.s32 @!p3 $0xC800;
	s18 =	simm.s32 @!p3 $0x80;
	s15 =	sadd.s32 @!p3 $0x400, s0  }
0x5a: {  	[tilespmem:s24], [sflag:$0x1] =	stream.indirect.gather @!p3 [hbm4b:s5+s18], $0x40, s15, s18, $0xb8;
	[tilespmem:$0x1C800] =	vst v63  }
0x5b: {  	s15 =	sadd.s32 @!p3 $0x480, s0;
	s24 =	simm.s32 @!p3 $0xE800  }
0x5c: {  	[tilespmem:s24], [sflag:$0x1] =	stream.indirect.gather @!p3 [hbm4b:s5+s18], $0x40, s15, s18, $0xb8;
	[tilespmem:$0x1C800] =	vst v63  }
0x5d: {  	_ =	swait.ge [sflag:s31], $0x4000  }
0x5e: {  	[sflag:s31] =	ssyncset.done $0x0  }
0x5f: {  	s15 =	sadd.s32 @!p0 s21, s12;
	s24 =	simm.s32 @!p0 $0x18800;
	[sflag:s31] =	ssyncadd.s32 $0xFFFFC000  }
0x60: {  	[hbm4b:s15+s2] =	stream.linear.scatter @!p0 [tilespmem:s24], [sflag:$0x8], $0x4000, $0x38;
	[tilespmem:$0x1C800] =	vst v63  }
0x61: {  	s2 =	sadd.s32 @!p1 $0x1FFCF800, s7  }
0x62: {  	s2 =	sand.u32 @!p1 $0x1FFFF800, s2  }
0x63: {  	s2 =	sadd.s32 @!p1 s1, s2  }
0x64: {  	[hbm4b:s2+s8] =	stream.linear.scatter @!p1 [tilespmem:s14], [sflag:$0x8], $0x4000, $0x38;
	[tilespmem:$0x1C800] =	vst v63  }
0x65: {  	s2 =	simm.s32 @!p2 $0x6  }
0x66: {  	p0 =	sgt.u32 @!p2 s6, $0x17;
	_ =	swait.ge @!p2 [sflag:s2], $0x4000  }
0x67: {  	p0 =	por p0, p2;
	[sflag:s2] =	ssyncset.done @!p2 $0x0  }
0x68: {  	[sflag:s2] =	ssyncadd.s32 @!p2 $0xFFFFC000;
	s2 =	sshra.s32 @!p0 s22, $0x2  }
0x69: {  	s8 =	simm.s32 @!p0 $0x80;
	s14 =	simm.s32 @!p0 $0x10800;
	s7 =	sadd.s32 @!p0 $0x500, s2  }
0x6a: {  	[tilespmem:s14], [sflag:$0x2] =	stream.indirect.gather @!p0 [hbm4b:s4+s8], $0x40, s7, s8, $0xb8;
	[tilespmem:$0x1C800] =	vst v63  }
0x6b: {  	s22 =	sadd.s32 $0x1000, s22;
	s2 =	sadd.s32 @!p0 $0x580, s2;
	s7 =	simm.s32 @!p0 $0x12800  }
0x6c: {  	[tilespmem:s7], [sflag:$0x2] =	stream.indirect.gather @!p0 [hbm4b:s4+s8], $0x40, s2, s8, $0xb8;
	[tilespmem:$0x1C800] =	vst v63  }
0x6d: {  	p0 =	sne.s32 s22, $0x32000  }
.Ltmp3:
0x6e: {  	_ = 	snop;
	(pc) =	sbr.rel @!p0 .LBB2_5-.Ltmp3, $4  }
0x6f: {  	s21 =	sadd.s32 $0x2000, s21;
	s2 =	sadd.s32 @!p3 $0x500, s0;
	s7 =	simm.s32 @!p3 $0x10800  }
0x70: {  	[tilespmem:s7], [sflag:$0x2] =	stream.indirect.gather @!p3 [hbm4b:s5+s18], $0x40, s2, s18, $0xb8;
	[tilespmem:$0x1C800] =	vst v63  }
0x71: {  	s6 =	sadd.s32 $0x1, s6;
	s0 =	sadd.s32 @!p3 $0x580, s0;
	s2 =	simm.s32 @!p3 $0x12800  }
0x72: {  	[tilespmem:s2], [sflag:$0x2] =	stream.indirect.gather @!p3 [hbm4b:s5+s18], $0x40, s0, s18, $0xb8;
	[tilespmem:$0x1C800] =	vst v63  }
.LBB2_2:
0x73: {  	_ =	swait.ge [sflag:s23], $0x4000;
	p0 =	sgt.u32 s6, $0x18  }
0x74: {  	p1 =	sgt.u32 s19, $0x63;
	[sflag:s23] =	ssyncset.done $0x0;
	s7 =	sadd.s32 @!p0 s21, s11  }
0x75: {  	s8 =	simm.s32 @!p0 $0x0;
	s15 =	simm.s32 @!p0 $0xC800;
	[sflag:s23] =	ssyncadd.s32 $0xFFFFC000  }
0x76: {  	[hbm4b:s7+s8] =	stream.linear.scatter @!p0 [tilespmem:s15], [sflag:$0x5], $0x4000, $0x38;
	[tilespmem:$0x1C800] =	vst v63  }
0x77: {  	s7 =	sadd.s32 @!p1 s21, s9  }
0x78: {  	s8 =	sadd.s32 @!p1 $0x1FFCE000, s7  }
0x79: {  	p2 =	seq.s32 s22, $0x0;
	s8 =	sand.u32 @!p1 $0x1FFFE000, s8  }
0x7a: {  	s0 =	simm.s32 @!p1 $0xC800;
	s15 =	simm.s32 @!p1 $0x0;
	s8 =	sadd.s32 @!p1 s1, s8  }
0x7b: {  	[hbm4b:s8+s15] =	stream.linear.scatter @!p1 [tilespmem:s0], [sflag:$0x5], $0x4000, $0x38;
	[tilespmem:$0x1C800] =	vst v63  }
0x7c: {  	s0 =	simm.s32 @!p2 $0x7  }
0x7d: {  	p3 =	sgt.u32 @!p2 s6, $0x18;
	_ =	swait.ge @!p2 [sflag:s0], $0x4000  }
0x7e: {  	p3 =	por p2, !p3;
	s15 =	sshra.s32 s22, $0x2;
	[sflag:s0] =	ssyncset.done @!p2 $0x0  }
0x7f: {  	s2 =	simm.s32 @p3 $0x14800;
	[sflag:s0] =	ssyncadd.s32 @!p2 $0xFFFFC000;
	s0 =	sadd.s32 @p3 $0x200, s15  }
0x80: {  	[tilespmem:s2], [sflag:$0x3] =	stream.indirect.gather @p3 [hbm4b:s4+s16], $0x40, s0, s16, $0xb8;
	[tilespmem:$0x1C800] =	vst v63  }
0x81: {  	s8 =	sshra.s32 @!p1 s22, $0x2;
	s0 =	sadd.s32 @p3 $0x280, s15  }
0x82: {  	[tilespmem:s25], [sflag:$0x3] =	stream.indirect.gather @p3 [hbm4b:s4+s16], $0x40, s0, s16, $0xb8;
	[tilespmem:$0x1C800] =	vst v63  }
0x83: {  	s14 =	simm.s32 @!p1 $0x14800;
	s2 =	simm.s32 @!p1 $0x80;
	s0 =	sadd.s32 @!p1 $0x200, s8  }
0x84: {  	[tilespmem:s14], [sflag:$0x3] =	stream.indirect.gather @!p1 [hbm4b:s5+s2], $0x40, s0, s2, $0xb8;
	[tilespmem:$0x1C800] =	vst v63  }
.Ltmp4:
0x85: {  	s0 =	sadd.s32 @!p1 $0x280, s8;
	s14 =	simm.s32 @!p1 $0x16800;
	(pc) =	sbr.rel @!p0 .LBB2_3-.Ltmp4, $4  }
0x86: {  	[tilespmem:s14], [sflag:$0x3] =	stream.indirect.gather @!p1 [hbm4b:s5+s2], $0x40, s0, s2, $0xb8;
	[tilespmem:$0x1C800] =	vst v63  }
0x87: {  	_ =	swait.ge [sflag:s26], $0x4000  }
0x88: {  	[sflag:s26] =	ssyncset.done $0x0  }
0x89: {  	[sflag:s26] =	ssyncadd.s32 $0xFFFFC000  }
0x8a: {  	s0 =	sadd.s32 s21, s9  }
0x8b: {  	s0 =	sadd.s32 $0x1FFCE800, s0  }
0x8c: {  	s0 =	sand.u32 $0x1FFFE800, s0  }
.Ltmp5:
0x8d: {  	s0 =	sadd.s32 s1, s0;
	(pc) =	sbr.rel .LBB2_4-.Ltmp5, $4  }
0x8e: {  	[hbm4b:s0+s3] =	stream.linear.scatter [tilespmem:s20], [sflag:$0x6], $0x4000, $0x38;
	[tilespmem:$0x1C800] =	vst v63  }
0x8f: {  	_ =	swait.ge [sflag:s17], $0x4000  }
0x90: {  	[sflag:s17] =	ssyncset.done $0x0  }
0x91: {  	[sflag:s17] =	ssyncadd.s32 $0xFFFFC000  }
.LBB2_6:
0x92: {  	_ =	sfence.sel $0x180000  }
0x93: {  	[bflag:$0x0] =	sbarrier.arrive $0xFFFF  }
0x94: {  	_ =	strace $0x90000047  }
0x95: {  	s0 =	stileid.u32;
	[bflag:$0x2] =	sbarrier.arrive $0xFFFF  }
0x96: {  	p0 =	sne.s32 s0, $0x0;
	s0 =	rddreg [dreg:$0x5]  }
0x97: {  	s0 =	sadd.s32 @!p0 $0x100000, s0  }
0x98: {  	[sflag:s0] =	ssyncadd.tile.s32 @!p0 $0x1;
	_ =	shalt  }
.Lfunc_end2:
_tile_overlayer_lowered:
.L_overlay_start_2:
0x99: {  	(tag) =	ssettag $0x2  }
0x9a: {  	s0 =	rddreg [dreg:$0x0];
	s2 =	stileid.u32  }
0x9b: {  	s1 =	rddreg [dreg:$0x1];
	p0 =	sne.s32 s2, $0x0  }
0x9c: {  	s3 =	rddreg [dreg:$0x2];
	[bflag:$0x3] =	sbarrier.arrive $0xFFFF;
	s2 =	simm.s32 @!p0 $0x1C0A  }
0x9d: {  	[timem:s3], [sflag:s2] =	dma.local @!p0 [hbm:s0], s1  }
0x9e: {  	s0 =	simm.s32 @!p0 $0xA  }
0x9f: {  	_ =	swait.ge @!p0 [sflag:s0], s1  }
0xa0: {  	s1 =	ssub.s32 @!p0 $0x0, s1;
	[sflag:s0] =	ssyncset.done @!p0 $0x0  }
0xa1: {  	[sflag:s0] =	ssyncadd.s32 @!p0 s1  }
0xa2: {  	[bflag:$0x3] =	sbarrier.arrive $0xFFFF  }
0xa3: {  	_ =	shalt  }

// kernel: sparse-core-data-format-call.1.cloned.1.call-start
scs
called_computation.1_lowered:
.L_overlay_start_0:
0x0: {  	s2 =	sld [smem:$0x3FD9]  }
0x1: {  	s3 =	sld [smem:$0x3FFE];
	_ =	sdelay $0x1  }
0x2: {  	s1 =	srdreg.scid  }
0x3: {  	s0 =	sand.u32 $0x1, s1  }
0x4: {  	s15 =	sshll.u32 s0, $0xA;
	s2 =	sadd.s32 s3, s2  }
0x5: {  	s2 =	sadd.s32 s2, s15  }
0x6: {  	[smem:$0x3FC4] =	sst s2  }
0x7: {  	_ = 	snop  }
0x8: {  	s2 =	sld [smem:$0x3FD0];
	_ =	sdelay $0x2  }
0x9: {  	s16 =	simm.s32 $0xB;
	s4 =	simm.s32 $0x10  }
0xa: {  	[smem:s4], [sflag:s16] =	dma.local [hbm:s2], $0x1  }
0xb: {  	_ =	swait.eq [sflag:s16], $0x1  }
0xc: {  	[sflag:s16] =	ssyncset.done $0x0  }
0xd: {  	[sflag:s16] =	ssyncadd.s32 $0xFFFFFFFF  }
0xe: {  	s17 =	sld [smem:$0x10];
	(tm) =	ssettm $0x1  }
0xf: {  	s18 =	sld [smem:$0x3FFB];
	_ =	sdelay $0x3  }
0x10: {  	_ =	strace s18  }
0x11: {  	s3 =	sld [smem:$0x3FFC];
	_ =	sdelay $0x3  }
0x12: {  	_ =	strace s3  }
0x13: {  	s3 =	sld [smem:$0x3FFD];
	_ =	sdelay $0x3  }
0x14: {  	_ =	strace s3  }
0x15: {  	_ =	strace $0x8FFFFFFF  }
0x16: {  	s19 =	sld [smem:$0x3FDB];
	_ =	sdelay $0x1  }
0x17: {  	s20 =	simm.s32 $_scs_section_size  }
0x18: {  	s5 =	simm.s32 $_size__tile_overlayer_lowered;
	s6 =	simm.s32 $_tile_overlayer_lowered  }
0x19: {  	s23 =	simm.s32 $0x1BFF;
	s22 =	sshll.u32 s6, $0x1;
	s3 =	sadd.s32 s20, s19  }
0x1a: {  	s7 =	simm.s32 $0x0;
	s21 =	sshll.u32 s5, $0x1;
	s5 =	sadd.s32 s22, s3  }
0x1b: {  	[timem:s7], [sflag:s23] =	dma.local [hbm:s5], s21  }
0x1c: {  	_ =	swait.ge [sflag:s23], s21  }
0x1d: {  	s4 =	ssub.s32 $0x0, s21;
	[sflag:s23] =	ssyncset.done $0x0  }
0x1e: {  	[sflag:s23] =	ssyncadd.s32 s4;
	_ =	sdelay $0x1  }
0x1f: {  	s24 =	simm.s32 $0x1B8B  }
0x20: {  	_ =	swait.ge [sflag:s24], $0x1  }
0x21: {  	[sflag:s24] =	ssyncset.done $0x0  }
0x22: {  	s26 =	simm.s32 $0x1B8E;
	s25 =	sld [smem:$0x3FFE];
	[sflag:s24] =	ssyncadd.s32 $0xFFFFFFFF  }
0x23: {  	s27 =	simm.s32 $execute0_lowered;
	[smem:$0x3FD2] =	sst s26  }
0x24: {  	s5 =	sshll.u32 s27, $0x1;
	_ =	strace $0x80000049;
	[dreg:$0x1] =	wrdreg $0xFFFFFFFF  }
0x25: {  	s28 =	simm.s32 $_size_execute0_lowered;
	s3 =	sadd.s32 s3, s5;
	[dreg:$0x0] =	wrdreg $0x0  }
0x26: {  	s5 =	sshll.u32 s28, $0x1;
	[dreg:$0x2] =	wrdreg s3  }
0x27: {  	[dreg:$0x3] =	wrdreg s5  }
0x28: {  	[dreg:$0x4] =	wrdreg $0xC0  }
0x29: {  	_ =	task [dreg:s7], $0x5FFFF  }
0x2a: {  	[dreg:$0x1] =	wrdreg $0xFFFFFFFF  }
0x2b: {  	[dreg:$0x0] =	wrdreg $0x60  }
0x2c: {  	[dreg:$0x2] =	wrdreg s25  }
0x2d: {  	[dreg:$0x3] =	wrdreg s17  }
0x2e: {  	[dreg:$0x4] =	wrdreg $0xA  }
0x2f: {  	_ =	task.clear_ibuf [dreg:s7], $0x5FFFF;
	_ =	strace $0x90000049  }
0x30: {  	s29 =	simm.s32 $0xA;
	_ =	strace $0x8000004B  }
0x31: {  	_ =	swait.ge [sflag:s29], $0x1  }
0x32: {  	[sflag:s29] =	ssyncadd.s32 $0xFFFFFFFF  }
0x33: {  	_ =	strace $0x9000004B  }
0x34: {  	_ =	sfence  }
0x35: {  	s30 =	sld [smem:$0x0];
	_ =	sdelay $0x2  }
0x36: {  	s31 =	sshll.u32 s1, $0xD;
	s1 =	sshrl.u32 s1, $0x2  }
0x37: {  	s3 =	sand.u32 $0x4000, s31;
	s1 =	sadd.s32 s1, s30  }
0x38: {  	s0 =	sor.u32 s3, s0;
	s1 =	sshll.u32 s1, $0x11  }
0x39: {  	s0 =	sor.u32 s1, s0  }
0x3a: {  	s0 =	sadd.s32 $0x8F2B, s0  }
0x3b: {  	[sflag:s0] =	ssyncadd.remote.s32 $0x1  }
0x3c: {  	_ =	sfence.sel $0xFFFF  }
0x3d: {  	[dreg:$0x0] =	wrdreg $0xFFFFFFFF;
	(pc) =	sbr.abs _section_cstart, $3  }
0x3e: {  	[dreg:$0x1] =	wrdreg $0xFFFFFFFF  }
0x3f: {  	_ =	task.clear_ibuf [dreg:s7], $0x2FFFF;
	_ =	strace $0x9FFFFFFF  }
0x40: {  	(tm) =	ssettm $0x7FFFFFFF  }
0x41: {  	_ =	shalt  }
tec
execute0_lowered:
.L_overlay_start_1:
0x0: {  	(tag) =	ssettag $0x1  }
0x1: {  	s0 =	srdreg.scid  }
0x2: {  	s1 =	sshll.u32 s0, $0x4  }
0x3: {  	s4 =	rddreg [dreg:$0x0];
	s0 =	stileid.u32;
	s1 =	sand.u32 $0x10, s1  }
0x4: {  	s2 =	rddreg [dreg:$0x1];
	s7 =	simm.s32 $0x1;
	s1 =	sor.u32 s0, s1  }
0x5: {  	s8 =	simm.s32 $0x2;
	s11 =	simm.s32 $0x0;
	s3 =	sshll.u32 s1, $0x7  }
0x6: {  	s10 =	simm.s32 $0x0;
	s4 =	sadd.s32 $0x2C00, s4;
	s6 =	ssub.s32 $0xC8000, s3  }
.Ltmp0:
0x7: {  	s1 =	rddreg [dreg:$0x2];
	s5 =	sand.u32 $0xF80, s6;
	(pc) =	sbr.rel .LBB1_1-.Ltmp0, $4  }
0x8: {  	_ =	strace $0x8000004A;
	s9 =	smov.u32 s3;
	p0 =	sne.s32 s5, $0x0  }
0x9: {  	s6 =	sshrl.u32 s6, $0xC;
	s5 =	simm.s32 $0x1;
	s7 =	simm.s32 @!p0 $0x0  }
0xa: {  	[sflag:s5] =	ssyncpa.u1 $0x0;
	p0 =	por $0x0, $0x0;
	s6 =	sadd.s32 s7, s6  }
0xb: {  	[sflag:s8] =	ssyncpa.u1 $0x0;
	s8 =	simm.s32 $0x640000;
	s7 =	sadd.s32 $0x1, s6  }
.LBB1_4:
0xc: {  	s14 =	sshll.u32 s11, $0x3  }
0xd: {  	s30 =	sand.u32 $0x7F, s11;
	s15 =	sand.u32 $0xFFFFFC00, s14  }
0xe: {  	s11 =	sor.u32 s30, s15  }
0xf: {  	s15 =	smulhi.u32 $0x51EB851F, s11  }
0x10: {  	s14 =	smulhi.u32 $0x51EB851F, s14  }
0x11: {  	s15 =	sshrl.u32 s15, $0x12  }
0x12: {  	s14 =	sshrl.u32 s14, $0x12;
	s15 =	smul.u32 $0xC8000, s15  }
0x13: {  	s14 =	sand.u32 $0x3F, s14  }
0x14: {  	s14 =	smul.u32 $0x19000, s14;
	s11 =	ssub.s32 s11, s15  }
0x15: {  	[tilespmem:s13+$0x810 ss:$0x81] =	vst.msk $0xffff, v2;
	s15 =	sand.u32 $0x7, s11  }
0x16: {  	[tilespmem:s13+$0x1020 ss:$0x81] =	vst.msk $0xffff, v0;
	s14 =	sadd.s32 s2, s14;
	s11 =	sshrl.u32 s11, $0x3;
	s15 =	sshll.u32 s15, $0x12  }
0x17: {  	[tilespmem:s13+$0x0 ss:$0x81] =	vst.msk $0xffff, v1;
	s11 =	sadd.s32 s11, s14;
	s31 =	sor.u32 $0x400, s15  }
0x18: {  	[hbm4b:s11+s31] =	stream.strided.scatter [tilespmem:s12], [sflag:$0x2], $0x2000, s8, s31, $0x20;
	[tilespmem:$0x8080] =	vst v63  }
.LBB1_5:
0x19: {  	s13 =	sadd.s32 $0x1000, s9  }
0x1a: {  	p2 =	sgt.s32 s13, $0xC7FFF  }
0x1b: {  	s13 =	smov.u32 @p2 s3;
	p2 =	sne.s32 s10, s7  }
.Ltmp1:
0x1c: {  	p1 =	slt.u32 s10, $0x2;
	(pc) =	sbr.rel @!p2 .LBB1_6-.Ltmp1, $4  }
0x1d: {  	s12 =	simm.s32 @!p1 $0x2  }
0x1e: {  	s14 =	sadd.s32 $0x1, s10;
	_ =	swait.ge @!p1 [sflag:s12], $0x2000  }
0x1f: {  	s11 =	smov.u32 s9;
	p0 =	por !p0, !p0;
	[sflag:s12] =	ssyncset.done @!p1 $0x0  }
0x20: {  	s10 =	smov.u32 s14;
	s9 =	smov.u32 s13;
	[sflag:s12] =	ssyncadd.s32 @!p1 $0xFFFFE000  }
.LBB1_1:
0x21: {  	p1 =	sge.u32 s10, s6  }
0x22: {  	s12 =	sand.u32 @!p1 $0x1FFFFFF, s9  }
0x23: {  	s13 =	smulhi.u32 @!p1 $0x147AE15, s12;
	_ =	sdelay $0x1  }
0x24: {  	s13 =	sshrl.u32 @!p1 s13, $0xC  }
0x25: {  	s13 =	smul.u32 @!p1 $0xC8000, s13;
	_ =	sdelay $0x1  }
0x26: {  	s31 =	sadd.s32 $0xFFFFFFFF, s10;
	s14 =	sxor.u32 @!p1 $0xFFFFFFFF, s10;
	s12 =	ssub.s32 @!p1 s12, s13  }
0x27: {  	s15 =	simm.s32 @!p1 $0x80;
	s14 =	sshll.u32 @!p1 s14, $0xD;
	s12 =	sshll.u32 @!p1 s12, $0x4  }
0x28: {  	s13 =	sand.u32 @!p1 $0x2000, s14;
	s14 =	simm.s32 @!p1 $0x40;
	s12 =	sadd.s32 @!p1 s4, s12  }
0x29: {  	[tilespmem:s13], [sflag:$0x1] =	stream.strided.gather @!p1 [hbm4b:s12+s14], $0x2000, s15, s14, $0x38;
	[tilespmem:$0x8080] =	vst v63  }
0x2a: {  	p1 =	sge.u32 s31, s6  }
.Ltmp2:
0x2b: {  	_ = 	snop;
	(pc) =	sbr.rel @p1 .LBB1_5-.Ltmp2, $1  }
0x2c: {  	_ =	sdelay $0x3  }
0x2d: {  	s12 =	simm.s32 $0x1  }
0x2e: {  	_ =	swait.ge [sflag:s5], $0x2000;
	s12 =	simm.s32 @!p0 $0x0  }
0x2f: {  	[sflag:s5] =	ssyncset.done $0x0;
	s13 =	sshll.u32 s12, $0xD  }
0x30: {  	[sflag:s5] =	ssyncadd.s32 $0xFFFFE000;
	s16 =	sor.u32 $0x20, s13  }
0x31: {  	s12 =	smul.u32 $0x8100, s12;
	v3 =	vld [tilespmem:s16+$0x10]  }
0x32: {  	s30 =	sand.u32 $0x1, s10;
	v2 =	vld [tilespmem:s16+$0xFFFFFFF0]  }
0x33: {  	s13 =	smul.u32 $0x8100, s30;
	s12 =	sshrl.u32 s12, $0x2;
	v0 =	vld [tilespmem:s16+$0x0]  }
0x34: {  	v1 =	vld [tilespmem:s16+$0xFFFFFFE0];
	s14 =	sor.u32 $0x4000, s12  }
0x35: {  	s31 =	sshrl.u32 s13, $0x2;
	s13 =	sadd.s32 $0x0, s14  }
0x36: {  	s15 =	simm.s32 $0x4;
	s16 =	sadd.s32 $0x40, s16;
	s12 =	sor.u32 $0x4000, s31;
	[tilespmem:s13+$0x1830 ss:$0x81] =	vst.msk $0xffff, v3  }
.LBB1_3:
0x37: {  	v3 =	vld [tilespmem:s16+$0x10];
	p1 =	sne.s32 s15, $0x1FC;
	[tilespmem:s13+$0x810 ss:$0x81] =	vst.msk $0xffff, v2;
	s17 =	smov.u32 s15;
	s15 =	sadd.s32 $0x4, s15  }
.Ltmp3:
0x38: {  	v2 =	vld [tilespmem:s16+$0xFFFFFFF0];
	[tilespmem:s13+$0x1020 ss:$0x81] =	vst.msk $0xffff, v0;
	(pc) =	sbr.rel @p1 .LBB1_3-.Ltmp3, $4  }
0x39: {  	v0 =	vld [tilespmem:s16+$0x0];
	[tilespmem:s13+$0x0 ss:$0x81] =	vst.msk $0xffff, v1  }
0x3a: {  	s13 =	sshra.s32 s17, $0x2;
	v1 =	vld [tilespmem:s16+$0xFFFFFFE0]  }
0x3b: {  	s13 =	sadd.s32 s13, s14  }
0x3c: {  	s16 =	sadd.s32 $0x40, s16;
	[tilespmem:s13+$0x1830 ss:$0x81] =	vst.msk $0xffff, v3  }
.Ltmp4:
0x3d: {  	_ = 	snop;
	(pc) =	sbr.rel .LBB1_4-.Ltmp4, $1  }
0x3e: {  	_ =	sdelay $0x3  }
.LBB1_6:
0x3f: {  	_ =	sfence.sel $0x180000  }
0x40: {  	s2 =	simm.s32 $0x1;
	[bflag:$0x0] =	sbarrier.arrive $0xFFFF  }
0x41: {  	s31 =	simm.s32 $0x2;
	[sflag:s2] =	ssyncpa.u1 $0x1  }
0x42: {  	[sflag:s31] =	ssyncpa.u1 $0x1  }
0x43: {  	p0 =	sne.s32 s0, $0x0;
	_ =	strace $0x9000004A  }
0x44: {  	s0 =	sadd.s32 @!p0 $0x100000, s1;
	[bflag:$0x2] =	sbarrier.arrive $0xFFFF  }
0x45: {  	[sflag:s0] =	ssyncadd.tile.s32 @!p0 $0x1;
	_ =	shalt  }
.Lfunc_end1:
_tile_overlayer_lowered:
.L_overlay_start_2:
0x46: {  	(tag) =	ssettag $0x2  }
0x47: {  	s0 =	rddreg [dreg:$0x0];
	s2 =	stileid.u32  }
0x48: {  	s1 =	rddreg [dreg:$0x1];
	p0 =	sne.s32 s2, $0x0  }
0x49: {  	s3 =	rddreg [dreg:$0x2];
	[bflag:$0x3] =	sbarrier.arrive $0xFFFF;
	s2 =	simm.s32 @!p0 $0x1C01  }
0x4a: {  	[timem:s3], [sflag:s2] =	dma.local @!p0 [hbm:s0], s1  }
0x4b: {  	s0 =	simm.s32 @!p0 $0x1  }
0x4c: {  	_ =	swait.ge @!p0 [sflag:s0], s1  }
0x4d: {  	s1 =	ssub.s32 @!p0 $0x0, s1;
	[sflag:s0] =	ssyncset.done @!p0 $0x0  }
0x4e: {  	[sflag:s0] =	ssyncadd.s32 @!p0 s1  }
0x4f: {  	[bflag:$0x3] =	sbarrier.arrive $0xFFFF  }
0x50: {  	_ =	shalt  }

// kernel: sparse-core-data-format-call.cloned.1.call-start
scs
called_computation_lowered:
.L_overlay_start_0:
0x0: {  	s2 =	sld [smem:$0x3FD9]  }
0x1: {  	s3 =	sld [smem:$0x3FFE];
	_ =	sdelay $0x1  }
0x2: {  	s1 =	srdreg.scid  }
0x3: {  	s0 =	sand.u32 $0x1, s1  }
0x4: {  	s16 =	sshll.u32 s0, $0xA;
	s2 =	sadd.s32 s3, s2  }
0x5: {  	s2 =	sadd.s32 s2, s16  }
0x6: {  	[smem:$0x3FC4] =	sst s2  }
0x7: {  	_ = 	snop  }
0x8: {  	s2 =	sld [smem:$0x3FD0];
	_ =	sdelay $0x2  }
0x9: {  	s17 =	simm.s32 $0xB;
	s4 =	simm.s32 $0x10  }
0xa: {  	[smem:s4], [sflag:s17] =	dma.local [hbm:s2], $0x1  }
0xb: {  	_ =	swait.eq [sflag:s17], $0x1  }
0xc: {  	[sflag:s17] =	ssyncset.done $0x0  }
0xd: {  	[sflag:s17] =	ssyncadd.s32 $0xFFFFFFFF  }
0xe: {  	s18 =	sld [smem:$0x11];
	(tm) =	ssettm $0x1  }
0xf: {  	s19 =	sld [smem:$0x3FFB];
	_ =	sdelay $0x3  }
0x10: {  	_ =	strace s19  }
0x11: {  	s2 =	sld [smem:$0x3FFC];
	_ =	sdelay $0x3  }
0x12: {  	_ =	strace s2  }
0x13: {  	s2 =	sld [smem:$0x3FFD];
	_ =	sdelay $0x3  }
0x14: {  	_ =	strace s2  }
0x15: {  	_ =	strace $0x8FFFFFFF  }
0x16: {  	s20 =	sld [smem:$0x3FDB];
	_ =	sdelay $0x1  }
0x17: {  	s21 =	simm.s32 $_scs_section_size  }
0x18: {  	s5 =	simm.s32 $_size__tile_overlayer_lowered;
	s6 =	simm.s32 $_tile_overlayer_lowered  }
0x19: {  	s7 =	simm.s32 $0x1BFF;
	s22 =	sshll.u32 s6, $0x1;
	s4 =	sadd.s32 s21, s20  }
0x1a: {  	s23 =	simm.s32 $0x0;
	s5 =	sshll.u32 s5, $0x1;
	s6 =	sadd.s32 s22, s4  }
0x1b: {  	[timem:s23], [sflag:s7] =	dma.local [hbm:s6], s5  }
0x1c: {  	_ =	swait.ge [sflag:s7], s5  }
0x1d: {  	s5 =	ssub.s32 $0x0, s5;
	[sflag:s7] =	ssyncset.done $0x0  }
0x1e: {  	[sflag:s7] =	ssyncadd.s32 s5;
	_ =	sdelay $0x1  }
0x1f: {  	s24 =	simm.s32 $0x1B8B  }
0x20: {  	_ =	swait.ge [sflag:s24], $0x1  }
0x21: {  	[sflag:s24] =	ssyncset.done $0x0  }
0x22: {  	[sflag:s24] =	ssyncadd.s32 $0xFFFFFFFF  }
0x23: {  	s5 =	sld [smem:$0x0]  }
0x24: {  	s6 =	sand.u32 $0xFFFFFFFE, s1  }
0x25: {  	p0 =	sne.s32 s1, s6  }
0x26: {  	s6 =	sshll.u32 @p0 s6, $0xE  }
0x27: {  	s6 =	sadd.s32 @p0 $0x11B8D, s6;
	s7 =	sshll.u32 @p0 s5, $0x11  }
0x28: {  	s6 =	sor.u32 @p0 s7, s6  }
0x29: {  	[sflag:s6] =	ssyncadd.remote.s32 @p0 $0x1;
	_ =	sdelay $0x1  }
0x2a: {  	s6 =	simm.s32 @p0 $0x1B8D  }
0x2b: {  	_ =	swait.eq @p0 [sflag:s6], $0x1  }
0x2c: {  	[sflag:s6] =	ssyncadd.s32 @p0 $0xFFFFFFFF  }
0x2d: {  	s7 =	sshll.u32 @!p0 s1, $0xE  }
0x2e: {  	s7 =	sor.u32 @!p0 $0x4000, s7;
	s6 =	simm.s32 @!p0 $0x1B8D  }
0x2f: {  	s5 =	sshll.u32 @!p0 s5, $0x11;
	s7 =	sadd.s32 @!p0 $0x11B8D, s7;
	_ =	swait.eq @!p0 [sflag:s6], $0x1  }
0x30: {  	s5 =	sor.u32 @!p0 s5, s7;
	[sflag:s6] =	ssyncadd.s32 @!p0 $0xFFFFFFFF  }
0x31: {  	s26 =	simm.s32 $0x1B8E;
	s25 =	sld [smem:$0x3FFE];
	[sflag:s5] =	ssyncadd.remote.s32 @!p0 $0x1  }
0x32: {  	s27 =	simm.s32 $execute0_lowered;
	[smem:$0x3FD2] =	sst s26  }
0x33: {  	s6 =	sshll.u32 s27, $0x1;
	_ =	strace $0x8000004C;
	[dreg:$0x1] =	wrdreg $0xFFFFFFFF  }
0x34: {  	s28 =	simm.s32 $_size_execute0_lowered;
	s4 =	sadd.s32 s4, s6;
	[dreg:$0x0] =	wrdreg $0x0  }
0x35: {  	s6 =	sshll.u32 s28, $0x1;
	[dreg:$0x2] =	wrdreg s4  }
0x36: {  	[dreg:$0x3] =	wrdreg s6  }
0x37: {  	[dreg:$0x4] =	wrdreg $0xC0  }
0x38: {  	_ =	task [dreg:s23], $0x5FFFF  }
0x39: {  	[dreg:$0x1] =	wrdreg $0xFFFFFFFF  }
0x3a: {  	[dreg:$0x0] =	wrdreg $0x60  }
0x3b: {  	[dreg:$0x2] =	wrdreg s25  }
0x3c: {  	[dreg:$0x3] =	wrdreg s18  }
0x3d: {  	[dreg:$0x4] =	wrdreg $0x9  }
0x3e: {  	_ =	task.clear_ibuf [dreg:s23], $0x5FFFF;
	_ =	strace $0x9000004C  }
0x3f: {  	s29 =	simm.s32 $0x9;
	_ =	strace $0x8000004E  }
0x40: {  	_ =	swait.ge [sflag:s29], $0x1  }
0x41: {  	[sflag:s29] =	ssyncadd.s32 $0xFFFFFFFF  }
0x42: {  	_ =	strace $0x9000004E  }
0x43: {  	_ =	sfence  }
0x44: {  	s30 =	sld [smem:$0x0];
	_ =	sdelay $0x2  }
0x45: {  	s31 =	sshll.u32 s1, $0xD;
	s1 =	sshrl.u32 s1, $0x2  }
0x46: {  	s4 =	sand.u32 $0x4000, s31;
	s1 =	sadd.s32 s1, s30  }
0x47: {  	s0 =	sor.u32 s4, s0;
	s1 =	sshll.u32 s1, $0x11  }
0x48: {  	s0 =	sor.u32 s1, s0  }
0x49: {  	s0 =	sadd.s32 $0x8F2B, s0  }
0x4a: {  	[sflag:s0] =	ssyncadd.remote.s32 $0x1  }
0x4b: {  	_ =	sfence.sel $0xFFFF  }
0x4c: {  	[dreg:$0x0] =	wrdreg $0xFFFFFFFF;
	(pc) =	sbr.abs _section_cstart, $3  }
0x4d: {  	[dreg:$0x1] =	wrdreg $0xFFFFFFFF  }
0x4e: {  	_ =	task.clear_ibuf [dreg:s23], $0x2FFFF;
	_ =	strace $0x9FFFFFFF  }
0x4f: {  	(tm) =	ssettm $0x7FFFFFFF  }
tec
execute0_lowered:
.L_overlay_start_1:
0x0: {  	(tag) =	ssettag $0x1  }
0x1: {  	s0 =	srdreg.scid  }
0x2: {  	s1 =	sshll.u32 s0, $0x4  }
0x3: {  	s4 =	rddreg [dreg:$0x0];
	s0 =	stileid.u32;
	s1 =	sand.u32 $0x10, s1  }
0x4: {  	s2 =	rddreg [dreg:$0x1];
	s7 =	simm.s32 $0x1;
	s1 =	sor.u32 s0, s1  }
0x5: {  	s8 =	simm.s32 $0x2;
	s11 =	simm.s32 $0x0;
	s3 =	sshll.u32 s1, $0x7  }
0x6: {  	s10 =	simm.s32 $0x0;
	s4 =	sadd.s32 $0xC82C00, s4;
	s6 =	ssub.s32 $0xC8000, s3  }
.Ltmp0:
0x7: {  	s1 =	rddreg [dreg:$0x2];
	s5 =	sand.u32 $0xF80, s6;
	(pc) =	sbr.rel .LBB1_1-.Ltmp0, $4  }
0x8: {  	_ =	strace $0x8000004D;
	s9 =	smov.u32 s3;
	p0 =	sne.s32 s5, $0x0  }
0x9: {  	s6 =	sshrl.u32 s6, $0xC;
	s5 =	simm.s32 $0x1;
	s7 =	simm.s32 @!p0 $0x0  }
0xa: {  	[sflag:s5] =	ssyncpa.u1 $0x0;
	p0 =	por $0x0, $0x0;
	s6 =	sadd.s32 s7, s6  }
0xb: {  	[sflag:s8] =	ssyncpa.u1 $0x0;
	s8 =	simm.s32 $0x640000;
	s7 =	sadd.s32 $0x1, s6  }
.LBB1_4:
0xc: {  	s14 =	sshll.u32 s11, $0x3  }
0xd: {  	s30 =	sand.u32 $0x7F, s11;
	s15 =	sand.u32 $0xFFFFFC00, s14  }
0xe: {  	s11 =	sor.u32 s30, s15  }
0xf: {  	s15 =	smulhi.u32 $0x51EB851F, s11  }
0x10: {  	s14 =	smulhi.u32 $0x51EB851F, s14  }
0x11: {  	s15 =	sshrl.u32 s15, $0x12  }
0x12: {  	s14 =	sshrl.u32 s14, $0x12;
	s15 =	smul.u32 $0xC8000, s15  }
0x13: {  	s14 =	sand.u32 $0x3F, s14  }
0x14: {  	s14 =	smul.u32 $0x19000, s14;
	s11 =	ssub.s32 s11, s15  }
0x15: {  	[tilespmem:s13+$0x810 ss:$0x81] =	vst.msk $0xffff, v2;
	s15 =	sand.u32 $0x7, s11  }
0x16: {  	[tilespmem:s13+$0x1020 ss:$0x81] =	vst.msk $0xffff, v0;
	s14 =	sadd.s32 s2, s14;
	s11 =	sshrl.u32 s11, $0x3;
	s15 =	sshll.u32 s15, $0x12  }
0x17: {  	[tilespmem:s13+$0x0 ss:$0x81] =	vst.msk $0xffff, v1;
	s11 =	sadd.s32 s11, s14;
	s31 =	sor.u32 $0x400, s15  }
0x18: {  	[hbm4b:s11+s31] =	stream.strided.scatter [tilespmem:s12], [sflag:$0x2], $0x2000, s8, s31, $0x20;
	[tilespmem:$0x8080] =	vst v63  }
.LBB1_5:
0x19: {  	s13 =	sadd.s32 $0x1000, s9  }
0x1a: {  	p2 =	sgt.s32 s13, $0xC7FFF  }
0x1b: {  	s13 =	smov.u32 @p2 s3;
	p2 =	sne.s32 s10, s7  }
.Ltmp1:
0x1c: {  	p1 =	slt.u32 s10, $0x2;
	(pc) =	sbr.rel @!p2 .LBB1_6-.Ltmp1, $4  }
0x1d: {  	s12 =	simm.s32 @!p1 $0x2  }
0x1e: {  	s14 =	sadd.s32 $0x1, s10;
	_ =	swait.ge @!p1 [sflag:s12], $0x2000  }
0x1f: {  	s11 =	smov.u32 s9;
	p0 =	por !p0, !p0;
	[sflag:s12] =	ssyncset.done @!p1 $0x0  }
0x20: {  	s10 =	smov.u32 s14;
	s9 =	smov.u32 s13;
	[sflag:s12] =	ssyncadd.s32 @!p1 $0xFFFFE000  }
.LBB1_1:
0x21: {  	p1 =	sge.u32 s10, s6  }
0x22: {  	s12 =	sand.u32 @!p1 $0x1FFFFFF, s9  }
0x23: {  	s13 =	smulhi.u32 @!p1 $0x147AE15, s12;
	_ =	sdelay $0x1  }
0x24: {  	s13 =	sshrl.u32 @!p1 s13, $0xC  }
0x25: {  	s13 =	smul.u32 @!p1 $0xC8000, s13;
	_ =	sdelay $0x1  }
0x26: {  	s31 =	sadd.s32 $0xFFFFFFFF, s10;
	s14 =	sxor.u32 @!p1 $0xFFFFFFFF, s10;
	s12 =	ssub.s32 @!p1 s12, s13  }
0x27: {  	s15 =	simm.s32 @!p1 $0x80;
	s14 =	sshll.u32 @!p1 s14, $0xD;
	s12 =	sshll.u32 @!p1 s12, $0x4  }
0x28: {  	s13 =	sand.u32 @!p1 $0x2000, s14;
	s14 =	simm.s32 @!p1 $0x40;
	s12 =	sadd.s32 @!p1 s4, s12  }
0x29: {  	[tilespmem:s13], [sflag:$0x1] =	stream.strided.gather @!p1 [hbm4b:s12+s14], $0x2000, s15, s14, $0x38;
	[tilespmem:$0x8080] =	vst v63  }
0x2a: {  	p1 =	sge.u32 s31, s6  }
.Ltmp2:
0x2b: {  	_ = 	snop;
	(pc) =	sbr.rel @p1 .LBB1_5-.Ltmp2, $1  }
0x2c: {  	_ =	sdelay $0x3  }
0x2d: {  	s12 =	simm.s32 $0x1  }
0x2e: {  	_ =	swait.ge [sflag:s5], $0x2000;
	s12 =	simm.s32 @!p0 $0x0  }
0x2f: {  	[sflag:s5] =	ssyncset.done $0x0;
	s13 =	sshll.u32 s12, $0xD  }
0x30: {  	[sflag:s5] =	ssyncadd.s32 $0xFFFFE000;
	s16 =	sor.u32 $0x20, s13  }
0x31: {  	s12 =	smul.u32 $0x8100, s12;
	v3 =	vld [tilespmem:s16+$0x10]  }
0x32: {  	s30 =	sand.u32 $0x1, s10;
	v2 =	vld [tilespmem:s16+$0xFFFFFFF0]  }
0x33: {  	s13 =	smul.u32 $0x8100, s30;
	s12 =	sshrl.u32 s12, $0x2;
	v0 =	vld [tilespmem:s16+$0x0]  }
0x34: {  	v1 =	vld [tilespmem:s16+$0xFFFFFFE0];
	s14 =	sor.u32 $0x4000, s12  }
0x35: {  	s31 =	sshrl.u32 s13, $0x2;
	s13 =	sadd.s32 $0x0, s14  }
0x36: {  	s15 =	simm.s32 $0x4;
	s16 =	sadd.s32 $0x40, s16;
	s12 =	sor.u32 $0x4000, s31;
	[tilespmem:s13+$0x1830 ss:$0x81] =	vst.msk $0xffff, v3  }
.LBB1_3:
0x37: {  	v3 =	vld [tilespmem:s16+$0x10];
	p1 =	sne.s32 s15, $0x1FC;
	[tilespmem:s13+$0x810 ss:$0x81] =	vst.msk $0xffff, v2;
	s17 =	smov.u32 s15;
	s15 =	sadd.s32 $0x4, s15  }
.Ltmp3:
0x38: {  	v2 =	vld [tilespmem:s16+$0xFFFFFFF0];
	[tilespmem:s13+$0x1020 ss:$0x81] =	vst.msk $0xffff, v0;
	(pc) =	sbr.rel @p1 .LBB1_3-.Ltmp3, $4  }
0x39: {  	v0 =	vld [tilespmem:s16+$0x0];
	[tilespmem:s13+$0x0 ss:$0x81] =	vst.msk $0xffff, v1  }
0x3a: {  	s13 =	sshra.s32 s17, $0x2;
	v1 =	vld [tilespmem:s16+$0xFFFFFFE0]  }
0x3b: {  	s13 =	sadd.s32 s13, s14  }
0x3c: {  	s16 =	sadd.s32 $0x40, s16;
	[tilespmem:s13+$0x1830 ss:$0x81] =	vst.msk $0xffff, v3  }
.Ltmp4:
0x3d: {  	_ = 	snop;
	(pc) =	sbr.rel .LBB1_4-.Ltmp4, $1  }
0x3e: {  	_ =	sdelay $0x3  }
.LBB1_6:
0x3f: {  	_ =	sfence.sel $0x180000  }
0x40: {  	s2 =	simm.s32 $0x1;
	[bflag:$0x0] =	sbarrier.arrive $0xFFFF  }
0x41: {  	s31 =	simm.s32 $0x2;
	[sflag:s2] =	ssyncpa.u1 $0x1  }
0x42: {  	[sflag:s31] =	ssyncpa.u1 $0x1  }
0x43: {  	p0 =	sne.s32 s0, $0x0;
	_ =	strace $0x9000004D  }
0x44: {  	s0 =	sadd.s32 @!p0 $0x100000, s1;
	[bflag:$0x2] =	sbarrier.arrive $0xFFFF  }
0x45: {  	[sflag:s0] =	ssyncadd.tile.s32 @!p0 $0x1;
	_ =	shalt  }
.Lfunc_end1:
_tile_overlayer_lowered:
.L_overlay_start_2:
0x46: {  	(tag) =	ssettag $0x2  }
0x47: {  	s0 =	rddreg [dreg:$0x0];
	s2 =	stileid.u32  }
0x48: {  	s1 =	rddreg [dreg:$0x1];
	p0 =	sne.s32 s2, $0x0  }
0x49: {  	s3 =	rddreg [dreg:$0x2];
	[bflag:$0x3] =	sbarrier.arrive $0xFFFF;
	s2 =	simm.s32 @!p0 $0x1C01  }
0x4a: {  	[timem:s3], [sflag:s2] =	dma.local @!p0 [hbm:s0], s1  }
0x4b: {  	s0 =	simm.s32 @!p0 $0x1  }
0x4c: {  	_ =	swait.ge @!p0 [sflag:s0], s1  }
0x4d: {  	s1 =	ssub.s32 @!p0 $0x0, s1;
	[sflag:s0] =	ssyncset.done @!p0 $0x0  }
0x4e: {  	[sflag:s0] =	ssyncadd.s32 @!p0 s1  }
0x4f: {  	[bflag:$0x3] =	sbarrier.arrive $0xFFFF  }
0x50: {  	_ =	shalt  }

</sc_bundles>
